<compile_context>
chip_gen: v7x
topology: tpu7x:2x2x1
jax: 0.10.2.dev20260603
libtpu: 0.0.44.dev20260713+nightly
codegen_flags: <defaults>
</compile_context>

<pallas_src>
import functools

import jax
import jax.numpy as jnp
from jax import lax
from jax.experimental import pallas as pl
from jax.experimental.pallas import tpu as pltpu
from jax.experimental.pallas import tpu_sc as plsc

NUM_EMB = 1000000
D = 64
B = 16384
L = 16
NC, NS = 2, 16
NW = NC * NS
BPW = B // NW
GCH = 128
NG = BPW // GCH


def _rsqrt(x):
    i = plsc.bitcast(x, jnp.int32)
    i = jnp.int32(0x5F3759DF) - (i >> 1)
    y = plsc.bitcast(i, jnp.float32)
    for _ in range(3):
        y = y * (1.5 - 0.5 * x * y * y)
    return y


@functools.cache
def _build():
    @functools.partial(
        pl.kernel,
        out_type=jax.ShapeDtypeStruct((B,), jnp.float32),
        mesh=plsc.VectorSubcoreMesh(core_axis_name="c", subcore_axis_name="s"),
        compiler_params=pltpu.CompilerParams(
            needs_layout_passes=False, use_tc_tiling_on_sc=False),
        scratch_types=[
            pltpu.VMEM((NG, GCH), jnp.int32),
            pltpu.VMEM((NG, GCH), jnp.int32),
            pltpu.VMEM((BPW, D), jnp.float32),
            pltpu.VMEM((BPW, D), jnp.float32),
            pltpu.VMEM((L, L + 1), jnp.float32),
            pltpu.VMEM((L, L + 1), jnp.float32),
            pltpu.VMEM((L, L + 1), jnp.float32),
            pltpu.VMEM((BPW,), jnp.float32),
            pltpu.SemaphoreType.DMA,
        ],
    )
    def _cos_sim_sc(w1_hbm, w2_hbm, table_hbm, out_hbm,
                    idx1_v, idx2_v, rows1_v, rows2_v,
                    dot_v, n1_v, n2_v, out_v, sem):
        wid = lax.axis_index("s") * NC + lax.axis_index("c")
        base = wid * BPW

        pltpu.sync_copy(w1_hbm.at[wid], idx1_v)
        pltpu.sync_copy(w2_hbm.at[wid], idx2_v)

        cps = []
        for j in range(NG):
            cps.append(pltpu.async_copy(
                table_hbm.at[idx1_v.at[j]],
                rows1_v.at[pl.ds(j * GCH, GCH)], sem))
            cps.append(pltpu.async_copy(
                table_hbm.at[idx2_v.at[j]],
                rows2_v.at[pl.ds(j * GCH, GCH)], sem))
        for cp in cps:
            cp.wait()

        iota = lax.iota(jnp.int32, L)

        def group_body(g, carry):
            for i in range(L):
                p = g * L + i
                a0 = rows1_v[p, pl.ds(0 * L, L)]
                a1 = rows1_v[p, pl.ds(1 * L, L)]
                a2 = rows1_v[p, pl.ds(2 * L, L)]
                a3 = rows1_v[p, pl.ds(3 * L, L)]
                b0 = rows2_v[p, pl.ds(0 * L, L)]
                b1 = rows2_v[p, pl.ds(1 * L, L)]
                b2 = rows2_v[p, pl.ds(2 * L, L)]
                b3 = rows2_v[p, pl.ds(3 * L, L)]
                dot_v[i, pl.ds(0, L)] = a0 * b0 + a1 * b1 + a2 * b2 + a3 * b3
                n1_v[i, pl.ds(0, L)] = a0 * a0 + a1 * a1 + a2 * a2 + a3 * a3
                n2_v[i, pl.ds(0, L)] = b0 * b0 + b1 * b1 + b2 * b2 + b3 * b3
            acc_d = plsc.load_gather(dot_v, [iota, jnp.full((L,), 0, jnp.int32)])
            acc_1 = plsc.load_gather(n1_v, [iota, jnp.full((L,), 0, jnp.int32)])
            acc_2 = plsc.load_gather(n2_v, [iota, jnp.full((L,), 0, jnp.int32)])
            for j in range(1, L):
                cj = jnp.full((L,), j, jnp.int32)
                acc_d = acc_d + plsc.load_gather(dot_v, [iota, cj])
                acc_1 = acc_1 + plsc.load_gather(n1_v, [iota, cj])
                acc_2 = acc_2 + plsc.load_gather(n2_v, [iota, cj])
            s1 = jnp.maximum(acc_1, 1e-16)
            s2 = jnp.maximum(acc_2, 1e-16)
            out_v[pl.ds(g * L, L)] = acc_d * _rsqrt(s1) * _rsqrt(s2)
            return carry

        lax.fori_loop(0, BPW // L, group_body, 0)

        pltpu.sync_copy(out_v, out_hbm.at[pl.ds(base, BPW)])

    return _cos_sim_sc


def kernel(words1, words2, table):
    w1 = words1.astype(jnp.int32).reshape(NW, NG, GCH)
    w2 = words2.astype(jnp.int32).reshape(NW, NG, GCH)
    return _build()(w1, w2, table)

# --- scband reference (transcript-rebuilt; emitter-appended) ---
"""Pipeline reference for scband-cos-sim-matcher-58523224375603 (READ-ONLY COPY).

The authoritative reference and input builder live on the scoring server;
editing this copy changes nothing except your own understanding.
"""

import jax, jax.numpy as jnp
import numpy as np

NUM_EMBEDDINGS = 1000000
EMBED_DIM = 64
BATCH = 16384


def setup_inputs(seed: int = 0) -> dict:
    key = jax.random.key(seed)
    k1, k2, k3 = jax.random.split(key, 3)
    words1 = jax.random.randint(k1, (BATCH,), 0, NUM_EMBEDDINGS, dtype=jnp.int64 if jax.config.read('jax_enable_x64') else jnp.int32)
    words2 = jax.random.randint(k2, (BATCH,), 0, NUM_EMBEDDINGS, dtype=jnp.int64 if jax.config.read('jax_enable_x64') else jnp.int32)
    table = jax.random.normal(k3, (NUM_EMBEDDINGS, EMBED_DIM), dtype=jnp.float32)
    return {"words1": words1, "words2": words2, "table": table}


def reference(words1, words2, table):
    batch_size = words1.shape[0]
    # embedding lookup (gather) then flatten per sample
    r1 = jnp.take(table, words1, axis=0).reshape(batch_size, -1)
    r2 = jnp.take(table, words2, axis=0).reshape(batch_size, -1)
    # torch F.cosine_similarity with eps=1e-8:
    # x1.x2 / (max(||x1||, eps) * max(||x2||, eps))
    eps = 1e-8
    dot = jnp.sum(r1 * r2, axis=1)
    n1 = jnp.maximum(jnp.linalg.norm(r1, axis=1), eps)
    n2 = jnp.maximum(jnp.linalg.norm(r2, axis=1), eps)
    return dot / (n1 * n2)

if __name__ == "__main__":
    import jax
    _d = setup_inputs()
    print(jax.jit(kernel)(*tuple(_d.values())))

</pallas_src>

<mosaic_0001>
#map = affine_map<(d0, d1) -> (0, 0, 0)>
#map1 = affine_map<(d0, d1) -> (0, 0)>
#map2 = affine_map<(d0, d1) -> (0)>
module attributes {stable_mosaic.version = 14 : i64} {
  func.func @_cos_sim_sc(%arg0: i32, %arg1: i32, %arg2: memref<32x4x128xi32, #tpu.memory_space<hbm>>, %arg3: memref<32x4x128xi32, #tpu.memory_space<hbm>>, %arg4: memref<1000000x64xf32, #tpu.memory_space<hbm>>, %arg5: memref<16384xf32, #tpu.memory_space<hbm>>, %arg6: memref<4x128xi32, #tpu.memory_space<vmem>>, %arg7: memref<4x128xi32, #tpu.memory_space<vmem>>, %arg8: memref<512x64xf32, #tpu.memory_space<vmem>>, %arg9: memref<512x64xf32, #tpu.memory_space<vmem>>, %arg10: memref<16x17xf32, #tpu.memory_space<vmem>>, %arg11: memref<16x17xf32, #tpu.memory_space<vmem>>, %arg12: memref<16x17xf32, #tpu.memory_space<vmem>>, %arg13: memref<512xf32, #tpu.memory_space<vmem>>, %arg14: memref<!tpu.dma_semaphore, #tpu.memory_space<semaphore_mem>>) attributes {dimension_semantics = [#tpu.dimension_semantics<core_parallel>, #tpu.dimension_semantics<subcore_parallel>], iteration_bounds = array<i64: 2, 16>, scalar_prefetch = 0 : i64, scratch_operands = 9 : i64, tpu.core_type = #tpu.core_type<sc_vector_subcore>, window_params = [{transform_indices = #map}, {transform_indices = #map}, {transform_indices = #map1}, {transform_indices = #map2}]} {
    %mul3A = arith.constant 2 : i32
    %mul3A_0 = arith.muli %arg1, %mul3A : i32
    %add3A = arith.addi %mul3A_0, %arg0 : i32
    %mul3A_1 = arith.constant 512 : i32
    %mul3A_2 = arith.muli %add3A, %mul3A_1 : i32
    "tpu.region"() ({
      %run_scoped3A = tpu.sem_alloc : memref<!tpu.dma_semaphore, #tpu.memory_space<semaphore_mem>>
      %dma_start3A_166 = arith.constant 0 : i32
      %dma_start3A_167 = arith.constant 0 : i32
      %dma_start3A_168 = tpu.memref_slice %arg2[%add3A, %dma_start3A_166, %dma_start3A_167] : memref<32x4x128xi32, #tpu.memory_space<hbm>> -> memref<1x4x128xi32, #tpu.memory_space<hbm>>
      %dma_start3A_169 = tpu.memref_squeeze %dma_start3A_168 : memref<1x4x128xi32, #tpu.memory_space<hbm>> -> memref<4x128xi32, #tpu.memory_space<hbm>>
      %dma_start3A_170 = arith.constant 0 : i32
      %dma_start3A_171 = arith.constant 0 : i32
      %dma_start3A_172 = tpu.memref_slice %arg2[%add3A, %dma_start3A_170, %dma_start3A_171] : memref<32x4x128xi32, #tpu.memory_space<hbm>> -> memref<1x4x128xi32, #tpu.memory_space<hbm>>
      %dma_start3A_173 = tpu.memref_squeeze %dma_start3A_172 : memref<1x4x128xi32, #tpu.memory_space<hbm>> -> memref<4x128xi32, #tpu.memory_space<hbm>>
      tpu.enqueue_dma source(%dma_start3A_173 : memref<4x128xi32, #tpu.memory_space<hbm>>) target(%arg6 : memref<4x128xi32, #tpu.memory_space<vmem>>) target_semaphore(%run_scoped3A : memref<!tpu.dma_semaphore, #tpu.memory_space<semaphore_mem>>)
      %dma_wait3A_174 = arith.constant 0 : i32
      %dma_wait3A_175 = arith.constant 0 : i32
      %dma_wait3A_176 = tpu.memref_slice %arg2[%add3A, %dma_wait3A_174, %dma_wait3A_175] : memref<32x4x128xi32, #tpu.memory_space<hbm>> -> memref<1x4x128xi32, #tpu.memory_space<hbm>>
      %dma_wait3A_177 = tpu.memref_squeeze %dma_wait3A_176 : memref<1x4x128xi32, #tpu.memory_space<hbm>> -> memref<4x128xi32, #tpu.memory_space<hbm>>
      %dma_wait3A_178 = arith.constant 0 : i32
      %dma_wait3A_179 = arith.constant 0 : i32
      %dma_wait3A_180 = tpu.memref_slice %arg2[%add3A, %dma_wait3A_178, %dma_wait3A_179] : memref<32x4x128xi32, #tpu.memory_space<hbm>> -> memref<1x4x128xi32, #tpu.memory_space<hbm>>
      %dma_wait3A_181 = tpu.memref_squeeze %dma_wait3A_180 : memref<1x4x128xi32, #tpu.memory_space<hbm>> -> memref<4x128xi32, #tpu.memory_space<hbm>>
      tpu.wait_dma2 semaphore(%run_scoped3A : memref<!tpu.dma_semaphore, #tpu.memory_space<semaphore_mem>>) src(%dma_wait3A_181 : memref<4x128xi32, #tpu.memory_space<hbm>>) dst(%arg6 : memref<4x128xi32, #tpu.memory_space<vmem>>)
      tpu.yield
    }) : () -> ()
    "tpu.region"() ({
      %run_scoped3A = tpu.sem_alloc : memref<!tpu.dma_semaphore, #tpu.memory_space<semaphore_mem>>
      %dma_start3A_166 = arith.constant 0 : i32
      %dma_start3A_167 = arith.constant 0 : i32
      %dma_start3A_168 = tpu.memref_slice %arg3[%add3A, %dma_start3A_166, %dma_start3A_167] : memref<32x4x128xi32, #tpu.memory_space<hbm>> -> memref<1x4x128xi32, #tpu.memory_space<hbm>>
      %dma_start3A_169 = tpu.memref_squeeze %dma_start3A_168 : memref<1x4x128xi32, #tpu.memory_space<hbm>> -> memref<4x128xi32, #tpu.memory_space<hbm>>
      %dma_start3A_170 = arith.constant 0 : i32
      %dma_start3A_171 = arith.constant 0 : i32
      %dma_start3A_172 = tpu.memref_slice %arg3[%add3A, %dma_start3A_170, %dma_start3A_171] : memref<32x4x128xi32, #tpu.memory_space<hbm>> -> memref<1x4x128xi32, #tpu.memory_space<hbm>>
      %dma_start3A_173 = tpu.memref_squeeze %dma_start3A_172 : memref<1x4x128xi32, #tpu.memory_space<hbm>> -> memref<4x128xi32, #tpu.memory_space<hbm>>
      tpu.enqueue_dma source(%dma_start3A_173 : memref<4x128xi32, #tpu.memory_space<hbm>>) target(%arg7 : memref<4x128xi32, #tpu.memory_space<vmem>>) target_semaphore(%run_scoped3A : memref<!tpu.dma_semaphore, #tpu.memory_space<semaphore_mem>>)
      %dma_wait3A_174 = arith.constant 0 : i32
      %dma_wait3A_175 = arith.constant 0 : i32
      %dma_wait3A_176 = tpu.memref_slice %arg3[%add3A, %dma_wait3A_174, %dma_wait3A_175] : memref<32x4x128xi32, #tpu.memory_space<hbm>> -> memref<1x4x128xi32, #tpu.memory_space<hbm>>
      %dma_wait3A_177 = tpu.memref_squeeze %dma_wait3A_176 : memref<1x4x128xi32, #tpu.memory_space<hbm>> -> memref<4x128xi32, #tpu.memory_space<hbm>>
      %dma_wait3A_178 = arith.constant 0 : i32
      %dma_wait3A_179 = arith.constant 0 : i32
      %dma_wait3A_180 = tpu.memref_slice %arg3[%add3A, %dma_wait3A_178, %dma_wait3A_179] : memref<32x4x128xi32, #tpu.memory_space<hbm>> -> memref<1x4x128xi32, #tpu.memory_space<hbm>>
      %dma_wait3A_181 = tpu.memref_squeeze %dma_wait3A_180 : memref<1x4x128xi32, #tpu.memory_space<hbm>> -> memref<4x128xi32, #tpu.memory_space<hbm>>
      tpu.wait_dma2 semaphore(%run_scoped3A : memref<!tpu.dma_semaphore, #tpu.memory_space<semaphore_mem>>) src(%dma_wait3A_181 : memref<4x128xi32, #tpu.memory_space<hbm>>) dst(%arg7 : memref<4x128xi32, #tpu.memory_space<vmem>>)
      tpu.yield
    }) : () -> ()
    %dma_start3A = arith.constant 0 : i32
    %dma_start3A_3 = arith.constant 0 : i32
    %dma_start3A_4 = arith.constant 0 : i32
    %dma_start3A_5 = tpu.memref_slice %arg8[%dma_start3A_3, %dma_start3A_4] : memref<512x64xf32, #tpu.memory_space<vmem>> -> memref<128x64xf32, #tpu.memory_space<vmem>>
    %dma_start3A_6 = arith.constant 0 : i32
    %dma_start3A_7 = tpu.memref_slice %arg6[%dma_start3A, %dma_start3A_6] : memref<4x128xi32, #tpu.memory_space<vmem>> -> memref<1x128xi32, #tpu.memory_space<vmem>>
    %dma_start3A_8 = tpu.memref_squeeze %dma_start3A_7 : memref<1x128xi32, #tpu.memory_space<vmem>> -> memref<128xi32, #tpu.memory_space<vmem>>
    %dma_start3A_9 = arith.constant 0 : i32
    %dma_start3A_10 = arith.constant 0 : i32
    %dma_start3A_11 = tpu.memref_slice %arg4[%dma_start3A_9, %dma_start3A_10] : memref<1000000x64xf32, #tpu.memory_space<hbm>> -> memref<1000000x64xf32, #tpu.memory_space<hbm>>
    tpu.enqueue_indirect_dma source(%dma_start3A_11 : memref<1000000x64xf32, #tpu.memory_space<hbm>>) target(%dma_start3A_5 : memref<128x64xf32, #tpu.memory_space<vmem>>) offsets(%dma_start3A_8 : memref<128xi32, #tpu.memory_space<vmem>>) semaphore(%arg14 : memref<!tpu.dma_semaphore, #tpu.memory_space<semaphore_mem>>)
    %dma_start3A_12 = arith.constant 0 : i32
    %dma_start3A_13 = arith.constant 0 : i32
    %dma_start3A_14 = arith.constant 0 : i32
    %dma_start3A_15 = tpu.memref_slice %arg9[%dma_start3A_13, %dma_start3A_14] : memref<512x64xf32, #tpu.memory_space<vmem>> -> memref<128x64xf32, #tpu.memory_space<vmem>>
    %dma_start3A_16 = arith.constant 0 : i32
    %dma_start3A_17 = tpu.memref_slice %arg7[%dma_start3A_12, %dma_start3A_16] : memref<4x128xi32, #tpu.memory_space<vmem>> -> memref<1x128xi32, #tpu.memory_space<vmem>>
    %dma_start3A_18 = tpu.memref_squeeze %dma_start3A_17 : memref<1x128xi32, #tpu.memory_space<vmem>> -> memref<128xi32, #tpu.memory_space<vmem>>
    %dma_start3A_19 = arith.constant 0 : i32
    %dma_start3A_20 = arith.constant 0 : i32
    %dma_start3A_21 = tpu.memref_slice %arg4[%dma_start3A_19, %dma_start3A_20] : memref<1000000x64xf32, #tpu.memory_space<hbm>> -> memref<1000000x64xf32, #tpu.memory_space<hbm>>
    tpu.enqueue_indirect_dma source(%dma_start3A_21 : memref<1000000x64xf32, #tpu.memory_space<hbm>>) target(%dma_start3A_15 : memref<128x64xf32, #tpu.memory_space<vmem>>) offsets(%dma_start3A_18 : memref<128xi32, #tpu.memory_space<vmem>>) semaphore(%arg14 : memref<!tpu.dma_semaphore, #tpu.memory_space<semaphore_mem>>)
    %dma_start3A_22 = arith.constant 1 : i32
    %dma_start3A_23 = arith.constant 128 : i32
    %dma_start3A_24 = arith.constant 0 : i32
    %dma_start3A_25 = tpu.memref_slice %arg8[%dma_start3A_23, %dma_start3A_24] : memref<512x64xf32, #tpu.memory_space<vmem>> -> memref<128x64xf32, #tpu.memory_space<vmem>>
    %dma_start3A_26 = arith.constant 0 : i32
    %dma_start3A_27 = tpu.memref_slice %arg6[%dma_start3A_22, %dma_start3A_26] : memref<4x128xi32, #tpu.memory_space<vmem>> -> memref<1x128xi32, #tpu.memory_space<vmem>>
    %dma_start3A_28 = tpu.memref_squeeze %dma_start3A_27 : memref<1x128xi32, #tpu.memory_space<vmem>> -> memref<128xi32, #tpu.memory_space<vmem>>
    %dma_start3A_29 = arith.constant 0 : i32
    %dma_start3A_30 = arith.constant 0 : i32
    %dma_start3A_31 = tpu.memref_slice %arg4[%dma_start3A_29, %dma_start3A_30] : memref<1000000x64xf32, #tpu.memory_space<hbm>> -> memref<1000000x64xf32, #tpu.memory_space<hbm>>
    tpu.enqueue_indirect_dma source(%dma_start3A_31 : memref<1000000x64xf32, #tpu.memory_space<hbm>>) target(%dma_start3A_25 : memref<128x64xf32, #tpu.memory_space<vmem>>) offsets(%dma_start3A_28 : memref<128xi32, #tpu.memory_space<vmem>>) semaphore(%arg14 : memref<!tpu.dma_semaphore, #tpu.memory_space<semaphore_mem>>)
    %dma_start3A_32 = arith.constant 1 : i32
    %dma_start3A_33 = arith.constant 128 : i32
    %dma_start3A_34 = arith.constant 0 : i32
    %dma_start3A_35 = tpu.memref_slice %arg9[%dma_start3A_33, %dma_start3A_34] : memref<512x64xf32, #tpu.memory_space<vmem>> -> memref<128x64xf32, #tpu.memory_space<vmem>>
    %dma_start3A_36 = arith.constant 0 : i32
    %dma_start3A_37 = tpu.memref_slice %arg7[%dma_start3A_32, %dma_start3A_36] : memref<4x128xi32, #tpu.memory_space<vmem>> -> memref<1x128xi32, #tpu.memory_space<vmem>>
    %dma_start3A_38 = tpu.memref_squeeze %dma_start3A_37 : memref<1x128xi32, #tpu.memory_space<vmem>> -> memref<128xi32, #tpu.memory_space<vmem>>
    %dma_start3A_39 = arith.constant 0 : i32
    %dma_start3A_40 = arith.constant 0 : i32
    %dma_start3A_41 = tpu.memref_slice %arg4[%dma_start3A_39, %dma_start3A_40] : memref<1000000x64xf32, #tpu.memory_space<hbm>> -> memref<1000000x64xf32, #tpu.memory_space<hbm>>
    tpu.enqueue_indirect_dma source(%dma_start3A_41 : memref<1000000x64xf32, #tpu.memory_space<hbm>>) target(%dma_start3A_35 : memref<128x64xf32, #tpu.memory_space<vmem>>) offsets(%dma_start3A_38 : memref<128xi32, #tpu.memory_space<vmem>>) semaphore(%arg14 : memref<!tpu.dma_semaphore, #tpu.memory_space<semaphore_mem>>)
    %dma_start3A_42 = arith.constant 2 : i32
    %dma_start3A_43 = arith.constant 256 : i32
    %dma_start3A_44 = arith.constant 0 : i32
    %dma_start3A_45 = tpu.memref_slice %arg8[%dma_start3A_43, %dma_start3A_44] : memref<512x64xf32, #tpu.memory_space<vmem>> -> memref<128x64xf32, #tpu.memory_space<vmem>>
    %dma_start3A_46 = arith.constant 0 : i32
    %dma_start3A_47 = tpu.memref_slice %arg6[%dma_start3A_42, %dma_start3A_46] : memref<4x128xi32, #tpu.memory_space<vmem>> -> memref<1x128xi32, #tpu.memory_space<vmem>>
    %dma_start3A_48 = tpu.memref_squeeze %dma_start3A_47 : memref<1x128xi32, #tpu.memory_space<vmem>> -> memref<128xi32, #tpu.memory_space<vmem>>
    %dma_start3A_49 = arith.constant 0 : i32
    %dma_start3A_50 = arith.constant 0 : i32
    %dma_start3A_51 = tpu.memref_slice %arg4[%dma_start3A_49, %dma_start3A_50] : memref<1000000x64xf32, #tpu.memory_space<hbm>> -> memref<1000000x64xf32, #tpu.memory_space<hbm>>
    tpu.enqueue_indirect_dma source(%dma_start3A_51 : memref<1000000x64xf32, #tpu.memory_space<hbm>>) target(%dma_start3A_45 : memref<128x64xf32, #tpu.memory_space<vmem>>) offsets(%dma_start3A_48 : memref<128xi32, #tpu.memory_space<vmem>>) semaphore(%arg14 : memref<!tpu.dma_semaphore, #tpu.memory_space<semaphore_mem>>)
    %dma_start3A_52 = arith.constant 2 : i32
    %dma_start3A_53 = arith.constant 256 : i32
    %dma_start3A_54 = arith.constant 0 : i32
    %dma_start3A_55 = tpu.memref_slice %arg9[%dma_start3A_53, %dma_start3A_54] : memref<512x64xf32, #tpu.memory_space<vmem>> -> memref<128x64xf32, #tpu.memory_space<vmem>>
    %dma_start3A_56 = arith.constant 0 : i32
    %dma_start3A_57 = tpu.memref_slice %arg7[%dma_start3A_52, %dma_start3A_56] : memref<4x128xi32, #tpu.memory_space<vmem>> -> memref<1x128xi32, #tpu.memory_space<vmem>>
    %dma_start3A_58 = tpu.memref_squeeze %dma_start3A_57 : memref<1x128xi32, #tpu.memory_space<vmem>> -> memref<128xi32, #tpu.memory_space<vmem>>
    %dma_start3A_59 = arith.constant 0 : i32
    %dma_start3A_60 = arith.constant 0 : i32
    %dma_start3A_61 = tpu.memref_slice %arg4[%dma_start3A_59, %dma_start3A_60] : memref<1000000x64xf32, #tpu.memory_space<hbm>> -> memref<1000000x64xf32, #tpu.memory_space<hbm>>
    tpu.enqueue_indirect_dma source(%dma_start3A_61 : memref<1000000x64xf32, #tpu.memory_space<hbm>>) target(%dma_start3A_55 : memref<128x64xf32, #tpu.memory_space<vmem>>) offsets(%dma_start3A_58 : memref<128xi32, #tpu.memory_space<vmem>>) semaphore(%arg14 : memref<!tpu.dma_semaphore, #tpu.memory_space<semaphore_mem>>)
    %dma_start3A_62 = arith.constant 3 : i32
    %dma_start3A_63 = arith.constant 384 : i32
    %dma_start3A_64 = arith.constant 0 : i32
    %dma_start3A_65 = tpu.memref_slice %arg8[%dma_start3A_63, %dma_start3A_64] : memref<512x64xf32, #tpu.memory_space<vmem>> -> memref<128x64xf32, #tpu.memory_space<vmem>>
    %dma_start3A_66 = arith.constant 0 : i32
    %dma_start3A_67 = tpu.memref_slice %arg6[%dma_start3A_62, %dma_start3A_66] : memref<4x128xi32, #tpu.memory_space<vmem>> -> memref<1x128xi32, #tpu.memory_space<vmem>>
    %dma_start3A_68 = tpu.memref_squeeze %dma_start3A_67 : memref<1x128xi32, #tpu.memory_space<vmem>> -> memref<128xi32, #tpu.memory_space<vmem>>
    %dma_start3A_69 = arith.constant 0 : i32
    %dma_start3A_70 = arith.constant 0 : i32
    %dma_start3A_71 = tpu.memref_slice %arg4[%dma_start3A_69, %dma_start3A_70] : memref<1000000x64xf32, #tpu.memory_space<hbm>> -> memref<1000000x64xf32, #tpu.memory_space<hbm>>
    tpu.enqueue_indirect_dma source(%dma_start3A_71 : memref<1000000x64xf32, #tpu.memory_space<hbm>>) target(%dma_start3A_65 : memref<128x64xf32, #tpu.memory_space<vmem>>) offsets(%dma_start3A_68 : memref<128xi32, #tpu.memory_space<vmem>>) semaphore(%arg14 : memref<!tpu.dma_semaphore, #tpu.memory_space<semaphore_mem>>)
    %dma_start3A_72 = arith.constant 3 : i32
    %dma_start3A_73 = arith.constant 384 : i32
    %dma_start3A_74 = arith.constant 0 : i32
    %dma_start3A_75 = tpu.memref_slice %arg9[%dma_start3A_73, %dma_start3A_74] : memref<512x64xf32, #tpu.memory_space<vmem>> -> memref<128x64xf32, #tpu.memory_space<vmem>>
    %dma_start3A_76 = arith.constant 0 : i32
    %dma_start3A_77 = tpu.memref_slice %arg7[%dma_start3A_72, %dma_start3A_76] : memref<4x128xi32, #tpu.memory_space<vmem>> -> memref<1x128xi32, #tpu.memory_space<vmem>>
    %dma_start3A_78 = tpu.memref_squeeze %dma_start3A_77 : memref<1x128xi32, #tpu.memory_space<vmem>> -> memref<128xi32, #tpu.memory_space<vmem>>
    %dma_start3A_79 = arith.constant 0 : i32
    %dma_start3A_80 = arith.constant 0 : i32
    %dma_start3A_81 = tpu.memref_slice %arg4[%dma_start3A_79, %dma_start3A_80] : memref<1000000x64xf32, #tpu.memory_space<hbm>> -> memref<1000000x64xf32, #tpu.memory_space<hbm>>
    tpu.enqueue_indirect_dma source(%dma_start3A_81 : memref<1000000x64xf32, #tpu.memory_space<hbm>>) target(%dma_start3A_75 : memref<128x64xf32, #tpu.memory_space<vmem>>) offsets(%dma_start3A_78 : memref<128xi32, #tpu.memory_space<vmem>>) semaphore(%arg14 : memref<!tpu.dma_semaphore, #tpu.memory_space<semaphore_mem>>)
    %dma_wait3A = arith.constant 0 : i32
    %dma_wait3A_82 = arith.constant 0 : i32
    %dma_wait3A_83 = arith.constant 0 : i32
    %dma_wait3A_84 = tpu.memref_slice %arg8[%dma_wait3A_82, %dma_wait3A_83] : memref<512x64xf32, #tpu.memory_space<vmem>> -> memref<128x64xf32, #tpu.memory_space<vmem>>
    %dma_wait3A_85 = arith.constant 0 : i32
    %dma_wait3A_86 = tpu.memref_slice %arg6[%dma_wait3A, %dma_wait3A_85] : memref<4x128xi32, #tpu.memory_space<vmem>> -> memref<1x128xi32, #tpu.memory_space<vmem>>
    %dma_wait3A_87 = tpu.memref_squeeze %dma_wait3A_86 : memref<1x128xi32, #tpu.memory_space<vmem>> -> memref<128xi32, #tpu.memory_space<vmem>>
    %dma_wait3A_88 = arith.constant 0 : i32
    %dma_wait3A_89 = arith.constant 0 : i32
    %dma_wait3A_90 = tpu.memref_slice %arg4[%dma_wait3A_88, %dma_wait3A_89] : memref<1000000x64xf32, #tpu.memory_space<hbm>> -> memref<1000000x64xf32, #tpu.memory_space<hbm>>
    tpu.wait_indirect_dma semaphore(%arg14 : memref<!tpu.dma_semaphore, #tpu.memory_space<semaphore_mem>>) src(%dma_wait3A_90 : memref<1000000x64xf32, #tpu.memory_space<hbm>>) dst(%dma_wait3A_84 : memref<128x64xf32, #tpu.memory_space<vmem>>)
    %dma_wait3A_91 = arith.constant 0 : i32
    %dma_wait3A_92 = arith.constant 0 : i32
    %dma_wait3A_93 = arith.constant 0 : i32
    %dma_wait3A_94 = tpu.memref_slice %arg9[%dma_wait3A_92, %dma_wait3A_93] : memref<512x64xf32, #tpu.memory_space<vmem>> -> memref<128x64xf32, #tpu.memory_space<vmem>>
    %dma_wait3A_95 = arith.constant 0 : i32
    %dma_wait3A_96 = tpu.memref_slice %arg7[%dma_wait3A_91, %dma_wait3A_95] : memref<4x128xi32, #tpu.memory_space<vmem>> -> memref<1x128xi32, #tpu.memory_space<vmem>>
    %dma_wait3A_97 = tpu.memref_squeeze %dma_wait3A_96 : memref<1x128xi32, #tpu.memory_space<vmem>> -> memref<128xi32, #tpu.memory_space<vmem>>
    %dma_wait3A_98 = arith.constant 0 : i32
    %dma_wait3A_99 = arith.constant 0 : i32
    %dma_wait3A_100 = tpu.memref_slice %arg4[%dma_wait3A_98, %dma_wait3A_99] : memref<1000000x64xf32, #tpu.memory_space<hbm>> -> memref<1000000x64xf32, #tpu.memory_space<hbm>>
    tpu.wait_indirect_dma semaphore(%arg14 : memref<!tpu.dma_semaphore, #tpu.memory_space<semaphore_mem>>) src(%dma_wait3A_100 : memref<1000000x64xf32, #tpu.memory_space<hbm>>) dst(%dma_wait3A_94 : memref<128x64xf32, #tpu.memory_space<vmem>>)
    %dma_wait3A_101 = arith.constant 1 : i32
    %dma_wait3A_102 = arith.constant 128 : i32
    %dma_wait3A_103 = arith.constant 0 : i32
    %dma_wait3A_104 = tpu.memref_slice %arg8[%dma_wait3A_102, %dma_wait3A_103] : memref<512x64xf32, #tpu.memory_space<vmem>> -> memref<128x64xf32, #tpu.memory_space<vmem>>
    %dma_wait3A_105 = arith.constant 0 : i32
    %dma_wait3A_106 = tpu.memref_slice %arg6[%dma_wait3A_101, %dma_wait3A_105] : memref<4x128xi32, #tpu.memory_space<vmem>> -> memref<1x128xi32, #tpu.memory_space<vmem>>
    %dma_wait3A_107 = tpu.memref_squeeze %dma_wait3A_106 : memref<1x128xi32, #tpu.memory_space<vmem>> -> memref<128xi32, #tpu.memory_space<vmem>>
    %dma_wait3A_108 = arith.constant 0 : i32
    %dma_wait3A_109 = arith.constant 0 : i32
    %dma_wait3A_110 = tpu.memref_slice %arg4[%dma_wait3A_108, %dma_wait3A_109] : memref<1000000x64xf32, #tpu.memory_space<hbm>> -> memref<1000000x64xf32, #tpu.memory_space<hbm>>
    tpu.wait_indirect_dma semaphore(%arg14 : memref<!tpu.dma_semaphore, #tpu.memory_space<semaphore_mem>>) src(%dma_wait3A_110 : memref<1000000x64xf32, #tpu.memory_space<hbm>>) dst(%dma_wait3A_104 : memref<128x64xf32, #tpu.memory_space<vmem>>)
    %dma_wait3A_111 = arith.constant 1 : i32
    %dma_wait3A_112 = arith.constant 128 : i32
    %dma_wait3A_113 = arith.constant 0 : i32
    %dma_wait3A_114 = tpu.memref_slice %arg9[%dma_wait3A_112, %dma_wait3A_113] : memref<512x64xf32, #tpu.memory_space<vmem>> -> memref<128x64xf32, #tpu.memory_space<vmem>>
    %dma_wait3A_115 = arith.constant 0 : i32
    %dma_wait3A_116 = tpu.memref_slice %arg7[%dma_wait3A_111, %dma_wait3A_115] : memref<4x128xi32, #tpu.memory_space<vmem>> -> memref<1x128xi32, #tpu.memory_space<vmem>>
    %dma_wait3A_117 = tpu.memref_squeeze %dma_wait3A_116 : memref<1x128xi32, #tpu.memory_space<vmem>> -> memref<128xi32, #tpu.memory_space<vmem>>
    %dma_wait3A_118 = arith.constant 0 : i32
    %dma_wait3A_119 = arith.constant 0 : i32
    %dma_wait3A_120 = tpu.memref_slice %arg4[%dma_wait3A_118, %dma_wait3A_119] : memref<1000000x64xf32, #tpu.memory_space<hbm>> -> memref<1000000x64xf32, #tpu.memory_space<hbm>>
    tpu.wait_indirect_dma semaphore(%arg14 : memref<!tpu.dma_semaphore, #tpu.memory_space<semaphore_mem>>) src(%dma_wait3A_120 : memref<1000000x64xf32, #tpu.memory_space<hbm>>) dst(%dma_wait3A_114 : memref<128x64xf32, #tpu.memory_space<vmem>>)
    %dma_wait3A_121 = arith.constant 2 : i32
    %dma_wait3A_122 = arith.constant 256 : i32
    %dma_wait3A_123 = arith.constant 0 : i32
    %dma_wait3A_124 = tpu.memref_slice %arg8[%dma_wait3A_122, %dma_wait3A_123] : memref<512x64xf32, #tpu.memory_space<vmem>> -> memref<128x64xf32, #tpu.memory_space<vmem>>
    %dma_wait3A_125 = arith.constant 0 : i32
    %dma_wait3A_126 = tpu.memref_slice %arg6[%dma_wait3A_121, %dma_wait3A_125] : memref<4x128xi32, #tpu.memory_space<vmem>> -> memref<1x128xi32, #tpu.memory_space<vmem>>
    %dma_wait3A_127 = tpu.memref_squeeze %dma_wait3A_126 : memref<1x128xi32, #tpu.memory_space<vmem>> -> memref<128xi32, #tpu.memory_space<vmem>>
    %dma_wait3A_128 = arith.constant 0 : i32
    %dma_wait3A_129 = arith.constant 0 : i32
    %dma_wait3A_130 = tpu.memref_slice %arg4[%dma_wait3A_128, %dma_wait3A_129] : memref<1000000x64xf32, #tpu.memory_space<hbm>> -> memref<1000000x64xf32, #tpu.memory_space<hbm>>
    tpu.wait_indirect_dma semaphore(%arg14 : memref<!tpu.dma_semaphore, #tpu.memory_space<semaphore_mem>>) src(%dma_wait3A_130 : memref<1000000x64xf32, #tpu.memory_space<hbm>>) dst(%dma_wait3A_124 : memref<128x64xf32, #tpu.memory_space<vmem>>)
    %dma_wait3A_131 = arith.constant 2 : i32
    %dma_wait3A_132 = arith.constant 256 : i32
    %dma_wait3A_133 = arith.constant 0 : i32
    %dma_wait3A_134 = tpu.memref_slice %arg9[%dma_wait3A_132, %dma_wait3A_133] : memref<512x64xf32, #tpu.memory_space<vmem>> -> memref<128x64xf32, #tpu.memory_space<vmem>>
    %dma_wait3A_135 = arith.constant 0 : i32
    %dma_wait3A_136 = tpu.memref_slice %arg7[%dma_wait3A_131, %dma_wait3A_135] : memref<4x128xi32, #tpu.memory_space<vmem>> -> memref<1x128xi32, #tpu.memory_space<vmem>>
    %dma_wait3A_137 = tpu.memref_squeeze %dma_wait3A_136 : memref<1x128xi32, #tpu.memory_space<vmem>> -> memref<128xi32, #tpu.memory_space<vmem>>
    %dma_wait3A_138 = arith.constant 0 : i32
    %dma_wait3A_139 = arith.constant 0 : i32
    %dma_wait3A_140 = tpu.memref_slice %arg4[%dma_wait3A_138, %dma_wait3A_139] : memref<1000000x64xf32, #tpu.memory_space<hbm>> -> memref<1000000x64xf32, #tpu.memory_space<hbm>>
    tpu.wait_indirect_dma semaphore(%arg14 : memref<!tpu.dma_semaphore, #tpu.memory_space<semaphore_mem>>) src(%dma_wait3A_140 : memref<1000000x64xf32, #tpu.memory_space<hbm>>) dst(%dma_wait3A_134 : memref<128x64xf32, #tpu.memory_space<vmem>>)
    %dma_wait3A_141 = arith.constant 3 : i32
    %dma_wait3A_142 = arith.constant 384 : i32
    %dma_wait3A_143 = arith.constant 0 : i32
    %dma_wait3A_144 = tpu.memref_slice %arg8[%dma_wait3A_142, %dma_wait3A_143] : memref<512x64xf32, #tpu.memory_space<vmem>> -> memref<128x64xf32, #tpu.memory_space<vmem>>
    %dma_wait3A_145 = arith.constant 0 : i32
    %dma_wait3A_146 = tpu.memref_slice %arg6[%dma_wait3A_141, %dma_wait3A_145] : memref<4x128xi32, #tpu.memory_space<vmem>> -> memref<1x128xi32, #tpu.memory_space<vmem>>
    %dma_wait3A_147 = tpu.memref_squeeze %dma_wait3A_146 : memref<1x128xi32, #tpu.memory_space<vmem>> -> memref<128xi32, #tpu.memory_space<vmem>>
    %dma_wait3A_148 = arith.constant 0 : i32
    %dma_wait3A_149 = arith.constant 0 : i32
    %dma_wait3A_150 = tpu.memref_slice %arg4[%dma_wait3A_148, %dma_wait3A_149] : memref<1000000x64xf32, #tpu.memory_space<hbm>> -> memref<1000000x64xf32, #tpu.memory_space<hbm>>
    tpu.wait_indirect_dma semaphore(%arg14 : memref<!tpu.dma_semaphore, #tpu.memory_space<semaphore_mem>>) src(%dma_wait3A_150 : memref<1000000x64xf32, #tpu.memory_space<hbm>>) dst(%dma_wait3A_144 : memref<128x64xf32, #tpu.memory_space<vmem>>)
    %dma_wait3A_151 = arith.constant 3 : i32
    %dma_wait3A_152 = arith.constant 384 : i32
    %dma_wait3A_153 = arith.constant 0 : i32
    %dma_wait3A_154 = tpu.memref_slice %arg9[%dma_wait3A_152, %dma_wait3A_153] : memref<512x64xf32, #tpu.memory_space<vmem>> -> memref<128x64xf32, #tpu.memory_space<vmem>>
    %dma_wait3A_155 = arith.constant 0 : i32
    %dma_wait3A_156 = tpu.memref_slice %arg7[%dma_wait3A_151, %dma_wait3A_155] : memref<4x128xi32, #tpu.memory_space<vmem>> -> memref<1x128xi32, #tpu.memory_space<vmem>>
    %dma_wait3A_157 = tpu.memref_squeeze %dma_wait3A_156 : memref<1x128xi32, #tpu.memory_space<vmem>> -> memref<128xi32, #tpu.memory_space<vmem>>
    %dma_wait3A_158 = arith.constant 0 : i32
    %dma_wait3A_159 = arith.constant 0 : i32
    %dma_wait3A_160 = tpu.memref_slice %arg4[%dma_wait3A_158, %dma_wait3A_159] : memref<1000000x64xf32, #tpu.memory_space<hbm>> -> memref<1000000x64xf32, #tpu.memory_space<hbm>>
    tpu.wait_indirect_dma semaphore(%arg14 : memref<!tpu.dma_semaphore, #tpu.memory_space<semaphore_mem>>) src(%dma_wait3A_160 : memref<1000000x64xf32, #tpu.memory_space<hbm>>) dst(%dma_wait3A_154 : memref<128x64xf32, #tpu.memory_space<vmem>>)
    %iota3A = tpu.iota {dimensions = array<i32: 0>} : vector<16xi32>
    %scan3A = arith.constant 0 : i32
    %scan3A_161 = arith.constant 0 : i32
    %scan3A_162 = arith.constant 32 : i32
    %scan3A_163 = arith.addi %scan3A_161, %scan3A_162 : i32
    %scan3A_164 = arith.constant 1 : i32
    scf.for %scan3A_166 = %scan3A_161 to %scan3A_163 step %scan3A_164  : i32 {
      %mul3A_167 = arith.constant 16 : i32
      %mul3A_168 = arith.muli %scan3A_166, %mul3A_167 : i32
      %add3A_169 = arith.constant 0 : i32
      %add3A_170 = arith.addi %mul3A_168, %add3A_169 : i32
      %get3A = arith.index_cast %add3A_170 : i32 to index
      %get3A_171 = arith.constant 0 : index
      %get3A_172 = tpu.vector_load %arg8[%get3A, %get3A_171] {strides = array<i32>} : memref<512x64xf32, #tpu.memory_space<vmem>>, vector<16xf32>,
      %get3A_173 = arith.index_cast %add3A_170 : i32 to index
      %get3A_174 = arith.constant 16 : index
      %get3A_175 = tpu.vector_load %arg8[%get3A_173, %get3A_174] {strides = array<i32>} : memref<512x64xf32, #tpu.memory_space<vmem>>, vector<16xf32>,
      %get3A_176 = arith.index_cast %add3A_170 : i32 to index
      %get3A_177 = arith.constant 32 : index
      %get3A_178 = tpu.vector_load %arg8[%get3A_176, %get3A_177] {strides = array<i32>} : memref<512x64xf32, #tpu.memory_space<vmem>>, vector<16xf32>,
      %get3A_179 = arith.index_cast %add3A_170 : i32 to index
      %get3A_180 = arith.constant 48 : index
      %get3A_181 = tpu.vector_load %arg8[%get3A_179, %get3A_180] {strides = array<i32>} : memref<512x64xf32, #tpu.memory_space<vmem>>, vector<16xf32>,
      %get3A_182 = arith.index_cast %add3A_170 : i32 to index
      %get3A_183 = arith.constant 0 : index
      %get3A_184 = tpu.vector_load %arg9[%get3A_182, %get3A_183] {strides = array<i32>} : memref<512x64xf32, #tpu.memory_space<vmem>>, vector<16xf32>,
      %get3A_185 = arith.index_cast %add3A_170 : i32 to index
      %get3A_186 = arith.constant 16 : index
      %get3A_187 = tpu.vector_load %arg9[%get3A_185, %get3A_186] {strides = array<i32>} : memref<512x64xf32, #tpu.memory_space<vmem>>, vector<16xf32>,
      %get3A_188 = arith.index_cast %add3A_170 : i32 to index
      %get3A_189 = arith.constant 32 : index
      %get3A_190 = tpu.vector_load %arg9[%get3A_188, %get3A_189] {strides = array<i32>} : memref<512x64xf32, #tpu.memory_space<vmem>>, vector<16xf32>,
      %get3A_191 = arith.index_cast %add3A_170 : i32 to index
      %get3A_192 = arith.constant 48 : index
      %get3A_193 = tpu.vector_load %arg9[%get3A_191, %get3A_192] {strides = array<i32>} : memref<512x64xf32, #tpu.memory_space<vmem>>, vector<16xf32>,
      %mul3A_194 = arith.mulf %get3A_172, %get3A_184 : vector<16xf32>
      %mul3A_195 = arith.mulf %get3A_175, %get3A_187 : vector<16xf32>
      %add3A_196 = arith.addf %mul3A_194, %mul3A_195 : vector<16xf32>
      %mul3A_197 = arith.mulf %get3A_178, %get3A_190 : vector<16xf32>
      %add3A_198 = arith.addf %add3A_196, %mul3A_197 : vector<16xf32>
      %mul3A_199 = arith.mulf %get3A_181, %get3A_193 : vector<16xf32>
      %add3A_200 = arith.addf %add3A_198, %mul3A_199 : vector<16xf32>
      %swap3A = arith.constant 0 : i32
      %swap3A_201 = arith.index_cast %swap3A : i32 to index
      %swap3A_202 = arith.constant 0 : index
      %swap3A_203 = tpu.vector_load %arg10[%swap3A_201, %swap3A_202] {strides = array<i32>} : memref<16x17xf32, #tpu.memory_space<vmem>>, vector<16xf32>,
      tpu.vector_store %arg10[%swap3A_201, %swap3A_202], %add3A_200 {strides = array<i32>} : memref<16x17xf32, #tpu.memory_space<vmem>>, vector<16xf32>,
      %mul3A_204 = arith.mulf %get3A_172, %get3A_172 : vector<16xf32>
      %mul3A_205 = arith.mulf %get3A_175, %get3A_175 : vector<16xf32>
      %add3A_206 = arith.addf %mul3A_204, %mul3A_205 : vector<16xf32>
      %mul3A_207 = arith.mulf %get3A_178, %get3A_178 : vector<16xf32>
      %add3A_208 = arith.addf %add3A_206, %mul3A_207 : vector<16xf32>
      %mul3A_209 = arith.mulf %get3A_181, %get3A_181 : vector<16xf32>
      %add3A_210 = arith.addf %add3A_208, %mul3A_209 : vector<16xf32>
      %swap3A_211 = arith.constant 0 : i32
      %swap3A_212 = arith.index_cast %swap3A_211 : i32 to index
      %swap3A_213 = arith.constant 0 : index
      %swap3A_214 = tpu.vector_load %arg11[%swap3A_212, %swap3A_213] {strides = array<i32>} : memref<16x17xf32, #tpu.memory_space<vmem>>, vector<16xf32>,
      tpu.vector_store %arg11[%swap3A_212, %swap3A_213], %add3A_210 {strides = array<i32>} : memref<16x17xf32, #tpu.memory_space<vmem>>, vector<16xf32>,
      %mul3A_215 = arith.mulf %get3A_184, %get3A_184 : vector<16xf32>
      %mul3A_216 = arith.mulf %get3A_187, %get3A_187 : vector<16xf32>
      %add3A_217 = arith.addf %mul3A_215, %mul3A_216 : vector<16xf32>
      %mul3A_218 = arith.mulf %get3A_190, %get3A_190 : vector<16xf32>
      %add3A_219 = arith.addf %add3A_217, %mul3A_218 : vector<16xf32>
      %mul3A_220 = arith.mulf %get3A_193, %get3A_193 : vector<16xf32>
      %add3A_221 = arith.addf %add3A_219, %mul3A_220 : vector<16xf32>
      %swap3A_222 = arith.constant 0 : i32
      %swap3A_223 = arith.index_cast %swap3A_222 : i32 to index
      %swap3A_224 = arith.constant 0 : index
      %swap3A_225 = tpu.vector_load %arg12[%swap3A_223, %swap3A_224] {strides = array<i32>} : memref<16x17xf32, #tpu.memory_space<vmem>>, vector<16xf32>,
      tpu.vector_store %arg12[%swap3A_223, %swap3A_224], %add3A_221 {strides = array<i32>} : memref<16x17xf32, #tpu.memory_space<vmem>>, vector<16xf32>,
      %mul3A_226 = arith.constant 16 : i32
      %mul3A_227 = arith.muli %scan3A_166, %mul3A_226 : i32
      %add3A_228 = arith.constant 1 : i32
      %add3A_229 = arith.addi %mul3A_227, %add3A_228 : i32
      %get3A_230 = arith.index_cast %add3A_229 : i32 to index
      %get3A_231 = arith.constant 0 : index
      %get3A_232 = tpu.vector_load %arg8[%get3A_230, %get3A_231] {strides = array<i32>} : memref<512x64xf32, #tpu.memory_space<vmem>>, vector<16xf32>,
      %get3A_233 = arith.index_cast %add3A_229 : i32 to index
      %get3A_234 = arith.constant 16 : index
      %get3A_235 = tpu.vector_load %arg8[%get3A_233, %get3A_234] {strides = array<i32>} : memref<512x64xf32, #tpu.memory_space<vmem>>, vector<16xf32>,
      %get3A_236 = arith.index_cast %add3A_229 : i32 to index
      %get3A_237 = arith.constant 32 : index
      %get3A_238 = tpu.vector_load %arg8[%get3A_236, %get3A_237] {strides = array<i32>} : memref<512x64xf32, #tpu.memory_space<vmem>>, vector<16xf32>,
      %get3A_239 = arith.index_cast %add3A_229 : i32 to index
      %get3A_240 = arith.constant 48 : index
      %get3A_241 = tpu.vector_load %arg8[%get3A_239, %get3A_240] {strides = array<i32>} : memref<512x64xf32, #tpu.memory_space<vmem>>, vector<16xf32>,
      %get3A_242 = arith.index_cast %add3A_229 : i32 to index
      %get3A_243 = arith.constant 0 : index
      %get3A_244 = tpu.vector_load %arg9[%get3A_242, %get3A_243] {strides = array<i32>} : memref<512x64xf32, #tpu.memory_space<vmem>>, vector<16xf32>,
      %get3A_245 = arith.index_cast %add3A_229 : i32 to index
      %get3A_246 = arith.constant 16 : index
      %get3A_247 = tpu.vector_load %arg9[%get3A_245, %get3A_246] {strides = array<i32>} : memref<512x64xf32, #tpu.memory_space<vmem>>, vector<16xf32>,
      %get3A_248 = arith.index_cast %add3A_229 : i32 to index
      %get3A_249 = arith.constant 32 : index
      %get3A_250 = tpu.vector_load %arg9[%get3A_248, %get3A_249] {strides = array<i32>} : memref<512x64xf32, #tpu.memory_space<vmem>>, vector<16xf32>,
      %get3A_251 = arith.index_cast %add3A_229 : i32 to index
      %get3A_252 = arith.constant 48 : index
      %get3A_253 = tpu.vector_load %arg9[%get3A_251, %get3A_252] {strides = array<i32>} : memref<512x64xf32, #tpu.memory_space<vmem>>, vector<16xf32>,
      %mul3A_254 = arith.mulf %get3A_232, %get3A_244 : vector<16xf32>
      %mul3A_255 = arith.mulf %get3A_235, %get3A_247 : vector<16xf32>
      %add3A_256 = arith.addf %mul3A_254, %mul3A_255 : vector<16xf32>
      %mul3A_257 = arith.mulf %get3A_238, %get3A_250 : vector<16xf32>
      %add3A_258 = arith.addf %add3A_256, %mul3A_257 : vector<16xf32>
      %mul3A_259 = arith.mulf %get3A_241, %get3A_253 : vector<16xf32>
      %add3A_260 = arith.addf %add3A_258, %mul3A_259 : vector<16xf32>
      %swap3A_261 = arith.constant 1 : i32
      %swap3A_262 = arith.index_cast %swap3A_261 : i32 to index
      %swap3A_263 = arith.constant 0 : index
      %swap3A_264 = tpu.vector_load %arg10[%swap3A_262, %swap3A_263] {strides = array<i32>} : memref<16x17xf32, #tpu.memory_space<vmem>>, vector<16xf32>,
      tpu.vector_store %arg10[%swap3A_262, %swap3A_263], %add3A_260 {strides = array<i32>} : memref<16x17xf32, #tpu.memory_space<vmem>>, vector<16xf32>,
      %mul3A_265 = arith.mulf %get3A_232, %get3A_232 : vector<16xf32>
      %mul3A_266 = arith.mulf %get3A_235, %get3A_235 : vector<16xf32>
      %add3A_267 = arith.addf %mul3A_265, %mul3A_266 : vector<16xf32>
      %mul3A_268 = arith.mulf %get3A_238, %get3A_238 : vector<16xf32>
      %add3A_269 = arith.addf %add3A_267, %mul3A_268 : vector<16xf32>
      %mul3A_270 = arith.mulf %get3A_241, %get3A_241 : vector<16xf32>
      %add3A_271 = arith.addf %add3A_269, %mul3A_270 : vector<16xf32>
      %swap3A_272 = arith.constant 1 : i32
      %swap3A_273 = arith.index_cast %swap3A_272 : i32 to index
      %swap3A_274 = arith.constant 0 : index
      %swap3A_275 = tpu.vector_load %arg11[%swap3A_273, %swap3A_274] {strides = array<i32>} : memref<16x17xf32, #tpu.memory_space<vmem>>, vector<16xf32>,
      tpu.vector_store %arg11[%swap3A_273, %swap3A_274], %add3A_271 {strides = array<i32>} : memref<16x17xf32, #tpu.memory_space<vmem>>, vector<16xf32>,
      %mul3A_276 = arith.mulf %get3A_244, %get3A_244 : vector<16xf32>
      %mul3A_277 = arith.mulf %get3A_247, %get3A_247 : vector<16xf32>
      %add3A_278 = arith.addf %mul3A_276, %mul3A_277 : vector<16xf32>
      %mul3A_279 = arith.mulf %get3A_250, %get3A_250 : vector<16xf32>
      %add3A_280 = arith.addf %add3A_278, %mul3A_279 : vector<16xf32>
      %mul3A_281 = arith.mulf %get3A_253, %get3A_253 : vector<16xf32>
      %add3A_282 = arith.addf %add3A_280, %mul3A_281 : vector<16xf32>
      %swap3A_283 = arith.constant 1 : i32
      %swap3A_284 = arith.index_cast %swap3A_283 : i32 to index
      %swap3A_285 = arith.constant 0 : index
      %swap3A_286 = tpu.vector_load %arg12[%swap3A_284, %swap3A_285] {strides = array<i32>} : memref<16x17xf32, #tpu.memory_space<vmem>>, vector<16xf32>,
      tpu.vector_store %arg12[%swap3A_284, %swap3A_285], %add3A_282 {strides = array<i32>} : memref<16x17xf32, #tpu.memory_space<vmem>>, vector<16xf32>,
      %mul3A_287 = arith.constant 16 : i32
      %mul3A_288 = arith.muli %scan3A_166, %mul3A_287 : i32
      %add3A_289 = arith.constant 2 : i32
      %add3A_290 = arith.addi %mul3A_288, %add3A_289 : i32
      %get3A_291 = arith.index_cast %add3A_290 : i32 to index
      %get3A_292 = arith.constant 0 : index
      %get3A_293 = tpu.vector_load %arg8[%get3A_291, %get3A_292] {strides = array<i32>} : memref<512x64xf32, #tpu.memory_space<vmem>>, vector<16xf32>,
      %get3A_294 = arith.index_cast %add3A_290 : i32 to index
      %get3A_295 = arith.constant 16 : index
      %get3A_296 = tpu.vector_load %arg8[%get3A_294, %get3A_295] {strides = array<i32>} : memref<512x64xf32, #tpu.memory_space<vmem>>, vector<16xf32>,
      %get3A_297 = arith.index_cast %add3A_290 : i32 to index
      %get3A_298 = arith.constant 32 : index
      %get3A_299 = tpu.vector_load %arg8[%get3A_297, %get3A_298] {strides = array<i32>} : memref<512x64xf32, #tpu.memory_space<vmem>>, vector<16xf32>,
      %get3A_300 = arith.index_cast %add3A_290 : i32 to index
      %get3A_301 = arith.constant 48 : index
      %get3A_302 = tpu.vector_load %arg8[%get3A_300, %get3A_301] {strides = array<i32>} : memref<512x64xf32, #tpu.memory_space<vmem>>, vector<16xf32>,
      %get3A_303 = arith.index_cast %add3A_290 : i32 to index
      %get3A_304 = arith.constant 0 : index
      %get3A_305 = tpu.vector_load %arg9[%get3A_303, %get3A_304] {strides = array<i32>} : memref<512x64xf32, #tpu.memory_space<vmem>>, vector<16xf32>,
      %get3A_306 = arith.index_cast %add3A_290 : i32 to index
      %get3A_307 = arith.constant 16 : index
      %get3A_308 = tpu.vector_load %arg9[%get3A_306, %get3A_307] {strides = array<i32>} : memref<512x64xf32, #tpu.memory_space<vmem>>, vector<16xf32>,
      %get3A_309 = arith.index_cast %add3A_290 : i32 to index
      %get3A_310 = arith.constant 32 : index
      %get3A_311 = tpu.vector_load %arg9[%get3A_309, %get3A_310] {strides = array<i32>} : memref<512x64xf32, #tpu.memory_space<vmem>>, vector<16xf32>,
      %get3A_312 = arith.index_cast %add3A_290 : i32 to index
      %get3A_313 = arith.constant 48 : index
      %get3A_314 = tpu.vector_load %arg9[%get3A_312, %get3A_313] {strides = array<i32>} : memref<512x64xf32, #tpu.memory_space<vmem>>, vector<16xf32>,
      %mul3A_315 = arith.mulf %get3A_293, %get3A_305 : vector<16xf32>
      %mul3A_316 = arith.mulf %get3A_296, %get3A_308 : vector<16xf32>
      %add3A_317 = arith.addf %mul3A_315, %mul3A_316 : vector<16xf32>
      %mul3A_318 = arith.mulf %get3A_299, %get3A_311 : vector<16xf32>
      %add3A_319 = arith.addf %add3A_317, %mul3A_318 : vector<16xf32>
      %mul3A_320 = arith.mulf %get3A_302, %get3A_314 : vector<16xf32>
      %add3A_321 = arith.addf %add3A_319, %mul3A_320 : vector<16xf32>
      %swap3A_322 = arith.constant 2 : i32
      %swap3A_323 = arith.index_cast %swap3A_322 : i32 to index
      %swap3A_324 = arith.constant 0 : index
      %swap3A_325 = tpu.vector_load %arg10[%swap3A_323, %swap3A_324] {strides = array<i32>} : memref<16x17xf32, #tpu.memory_space<vmem>>, vector<16xf32>,
      tpu.vector_store %arg10[%swap3A_323, %swap3A_324], %add3A_321 {strides = array<i32>} : memref<16x17xf32, #tpu.memory_space<vmem>>, vector<16xf32>,
      %mul3A_326 = arith.mulf %get3A_293, %get3A_293 : vector<16xf32>
      %mul3A_327 = arith.mulf %get3A_296, %get3A_296 : vector<16xf32>
      %add3A_328 = arith.addf %mul3A_326, %mul3A_327 : vector<16xf32>
      %mul3A_329 = arith.mulf %get3A_299, %get3A_299 : vector<16xf32>
      %add3A_330 = arith.addf %add3A_328, %mul3A_329 : vector<16xf32>
      %mul3A_331 = arith.mulf %get3A_302, %get3A_302 : vector<16xf32>
      %add3A_332 = arith.addf %add3A_330, %mul3A_331 : vector<16xf32>
      %swap3A_333 = arith.constant 2 : i32
      %swap3A_334 = arith.index_cast %swap3A_333 : i32 to index
      %swap3A_335 = arith.constant 0 : index
      %swap3A_336 = tpu.vector_load %arg11[%swap3A_334, %swap3A_335] {strides = array<i32>} : memref<16x17xf32, #tpu.memory_space<vmem>>, vector<16xf32>,
      tpu.vector_store %arg11[%swap3A_334, %swap3A_335], %add3A_332 {strides = array<i32>} : memref<16x17xf32, #tpu.memory_space<vmem>>, vector<16xf32>,
      %mul3A_337 = arith.mulf %get3A_305, %get3A_305 : vector<16xf32>
      %mul3A_338 = arith.mulf %get3A_308, %get3A_308 : vector<16xf32>
      %add3A_339 = arith.addf %mul3A_337, %mul3A_338 : vector<16xf32>
      %mul3A_340 = arith.mulf %get3A_311, %get3A_311 : vector<16xf32>
      %add3A_341 = arith.addf %add3A_339, %mul3A_340 : vector<16xf32>
      %mul3A_342 = arith.mulf %get3A_314, %get3A_314 : vector<16xf32>
      %add3A_343 = arith.addf %add3A_341, %mul3A_342 : vector<16xf32>
      %swap3A_344 = arith.constant 2 : i32
      %swap3A_345 = arith.index_cast %swap3A_344 : i32 to index
      %swap3A_346 = arith.constant 0 : index
      %swap3A_347 = tpu.vector_load %arg12[%swap3A_345, %swap3A_346] {strides = array<i32>} : memref<16x17xf32, #tpu.memory_space<vmem>>, vector<16xf32>,
      tpu.vector_store %arg12[%swap3A_345, %swap3A_346], %add3A_343 {strides = array<i32>} : memref<16x17xf32, #tpu.memory_space<vmem>>, vector<16xf32>,
      %mul3A_348 = arith.constant 16 : i32
      %mul3A_349 = arith.muli %scan3A_166, %mul3A_348 : i32
      %add3A_350 = arith.constant 3 : i32
      %add3A_351 = arith.addi %mul3A_349, %add3A_350 : i32
      %get3A_352 = arith.index_cast %add3A_351 : i32 to index
      %get3A_353 = arith.constant 0 : index
      %get3A_354 = tpu.vector_load %arg8[%get3A_352, %get3A_353] {strides = array<i32>} : memref<512x64xf32, #tpu.memory_space<vmem>>, vector<16xf32>,
      %get3A_355 = arith.index_cast %add3A_351 : i32 to index
      %get3A_356 = arith.constant 16 : index
      %get3A_357 = tpu.vector_load %arg8[%get3A_355, %get3A_356] {strides = array<i32>} : memref<512x64xf32, #tpu.memory_space<vmem>>, vector<16xf32>,
      %get3A_358 = arith.index_cast %add3A_351 : i32 to index
      %get3A_359 = arith.constant 32 : index
      %get3A_360 = tpu.vector_load %arg8[%get3A_358, %get3A_359] {strides = array<i32>} : memref<512x64xf32, #tpu.memory_space<vmem>>, vector<16xf32>,
      %get3A_361 = arith.index_cast %add3A_351 : i32 to index
      %get3A_362 = arith.constant 48 : index
      %get3A_363 = tpu.vector_load %arg8[%get3A_361, %get3A_362] {strides = array<i32>} : memref<512x64xf32, #tpu.memory_space<vmem>>, vector<16xf32>,
      %get3A_364 = arith.index_cast %add3A_351 : i32 to index
      %get3A_365 = arith.constant 0 : index
      %get3A_366 = tpu.vector_load %arg9[%get3A_364, %get3A_365] {strides = array<i32>} : memref<512x64xf32, #tpu.memory_space<vmem>>, vector<16xf32>,
      %get3A_367 = arith.index_cast %add3A_351 : i32 to index
      %get3A_368 = arith.constant 16 : index
      %get3A_369 = tpu.vector_load %arg9[%get3A_367, %get3A_368] {strides = array<i32>} : memref<512x64xf32, #tpu.memory_space<vmem>>, vector<16xf32>,
      %get3A_370 = arith.index_cast %add3A_351 : i32 to index
      %get3A_371 = arith.constant 32 : index
      %get3A_372 = tpu.vector_load %arg9[%get3A_370, %get3A_371] {strides = array<i32>} : memref<512x64xf32, #tpu.memory_space<vmem>>, vector<16xf32>,
      %get3A_373 = arith.index_cast %add3A_351 : i32 to index
      %get3A_374 = arith.constant 48 : index
      %get3A_375 = tpu.vector_load %arg9[%get3A_373, %get3A_374] {strides = array<i32>} : memref<512x64xf32, #tpu.memory_space<vmem>>, vector<16xf32>,
      %mul3A_376 = arith.mulf %get3A_354, %get3A_366 : vector<16xf32>
      %mul3A_377 = arith.mulf %get3A_357, %get3A_369 : vector<16xf32>
      %add3A_378 = arith.addf %mul3A_376, %mul3A_377 : vector<16xf32>
      %mul3A_379 = arith.mulf %get3A_360, %get3A_372 : vector<16xf32>
      %add3A_380 = arith.addf %add3A_378, %mul3A_379 : vector<16xf32>
      %mul3A_381 = arith.mulf %get3A_363, %get3A_375 : vector<16xf32>
      %add3A_382 = arith.addf %add3A_380, %mul3A_381 : vector<16xf32>
      %swap3A_383 = arith.constant 3 : i32
      %swap3A_384 = arith.index_cast %swap3A_383 : i32 to index
      %swap3A_385 = arith.constant 0 : index
      %swap3A_386 = tpu.vector_load %arg10[%swap3A_384, %swap3A_385] {strides = array<i32>} : memref<16x17xf32, #tpu.memory_space<vmem>>, vector<16xf32>,
      tpu.vector_store %arg10[%swap3A_384, %swap3A_385], %add3A_382 {strides = array<i32>} : memref<16x17xf32, #tpu.memory_space<vmem>>, vector<16xf32>,
      %mul3A_387 = arith.mulf %get3A_354, %get3A_354 : vector<16xf32>
      %mul3A_388 = arith.mulf %get3A_357, %get3A_357 : vector<16xf32>
      %add3A_389 = arith.addf %mul3A_387, %mul3A_388 : vector<16xf32>
      %mul3A_390 = arith.mulf %get3A_360, %get3A_360 : vector<16xf32>
      %add3A_391 = arith.addf %add3A_389, %mul3A_390 : vector<16xf32>
      %mul3A_392 = arith.mulf %get3A_363, %get3A_363 : vector<16xf32>
      %add3A_393 = arith.addf %add3A_391, %mul3A_392 : vector<16xf32>
      %swap3A_394 = arith.constant 3 : i32
      %swap3A_395 = arith.index_cast %swap3A_394 : i32 to index
      %swap3A_396 = arith.constant 0 : index
      %swap3A_397 = tpu.vector_load %arg11[%swap3A_395, %swap3A_396] {strides = array<i32>} : memref<16x17xf32, #tpu.memory_space<vmem>>, vector<16xf32>,
      tpu.vector_store %arg11[%swap3A_395, %swap3A_396], %add3A_393 {strides = array<i32>} : memref<16x17xf32, #tpu.memory_space<vmem>>, vector<16xf32>,
      %mul3A_398 = arith.mulf %get3A_366, %get3A_366 : vector<16xf32>
      %mul3A_399 = arith.mulf %get3A_369, %get3A_369 : vector<16xf32>
      %add3A_400 = arith.addf %mul3A_398, %mul3A_399 : vector<16xf32>
      %mul3A_401 = arith.mulf %get3A_372, %get3A_372 : vector<16xf32>
      %add3A_402 = arith.addf %add3A_400, %mul3A_401 : vector<16xf32>
      %mul3A_403 = arith.mulf %get3A_375, %get3A_375 : vector<16xf32>
      %add3A_404 = arith.addf %add3A_402, %mul3A_403 : vector<16xf32>
      %swap3A_405 = arith.constant 3 : i32
      %swap3A_406 = arith.index_cast %swap3A_405 : i32 to index
      %swap3A_407 = arith.constant 0 : index
      %swap3A_408 = tpu.vector_load %arg12[%swap3A_406, %swap3A_407] {strides = array<i32>} : memref<16x17xf32, #tpu.memory_space<vmem>>, vector<16xf32>,
      tpu.vector_store %arg12[%swap3A_406, %swap3A_407], %add3A_404 {strides = array<i32>} : memref<16x17xf32, #tpu.memory_space<vmem>>, vector<16xf32>,
      %mul3A_409 = arith.constant 16 : i32
      %mul3A_410 = arith.muli %scan3A_166, %mul3A_409 : i32
      %add3A_411 = arith.constant 4 : i32
      %add3A_412 = arith.addi %mul3A_410, %add3A_411 : i32
      %get3A_413 = arith.index_cast %add3A_412 : i32 to index
      %get3A_414 = arith.constant 0 : index
      %get3A_415 = tpu.vector_load %arg8[%get3A_413, %get3A_414] {strides = array<i32>} : memref<512x64xf32, #tpu.memory_space<vmem>>, vector<16xf32>,
      %get3A_416 = arith.index_cast %add3A_412 : i32 to index
      %get3A_417 = arith.constant 16 : index
      %get3A_418 = tpu.vector_load %arg8[%get3A_416, %get3A_417] {strides = array<i32>} : memref<512x64xf32, #tpu.memory_space<vmem>>, vector<16xf32>,
      %get3A_419 = arith.index_cast %add3A_412 : i32 to index
      %get3A_420 = arith.constant 32 : index
      %get3A_421 = tpu.vector_load %arg8[%get3A_419, %get3A_420] {strides = array<i32>} : memref<512x64xf32, #tpu.memory_space<vmem>>, vector<16xf32>,
      %get3A_422 = arith.index_cast %add3A_412 : i32 to index
      %get3A_423 = arith.constant 48 : index
      %get3A_424 = tpu.vector_load %arg8[%get3A_422, %get3A_423] {strides = array<i32>} : memref<512x64xf32, #tpu.memory_space<vmem>>, vector<16xf32>,
      %get3A_425 = arith.index_cast %add3A_412 : i32 to index
      %get3A_426 = arith.constant 0 : index
      %get3A_427 = tpu.vector_load %arg9[%get3A_425, %get3A_426] {strides = array<i32>} : memref<512x64xf32, #tpu.memory_space<vmem>>, vector<16xf32>,
      %get3A_428 = arith.index_cast %add3A_412 : i32 to index
      %get3A_429 = arith.constant 16 : index
      %get3A_430 = tpu.vector_load %arg9[%get3A_428, %get3A_429] {strides = array<i32>} : memref<512x64xf32, #tpu.memory_space<vmem>>, vector<16xf32>,
      %get3A_431 = arith.index_cast %add3A_412 : i32 to index
      %get3A_432 = arith.constant 32 : index
      %get3A_433 = tpu.vector_load %arg9[%get3A_431, %get3A_432] {strides = array<i32>} : memref<512x64xf32, #tpu.memory_space<vmem>>, vector<16xf32>,
      %get3A_434 = arith.index_cast %add3A_412 : i32 to index
      %get3A_435 = arith.constant 48 : index
      %get3A_436 = tpu.vector_load %arg9[%get3A_434, %get3A_435] {strides = array<i32>} : memref<512x64xf32, #tpu.memory_space<vmem>>, vector<16xf32>,
      %mul3A_437 = arith.mulf %get3A_415, %get3A_427 : vector<16xf32>
      %mul3A_438 = arith.mulf %get3A_418, %get3A_430 : vector<16xf32>
      %add3A_439 = arith.addf %mul3A_437, %mul3A_438 : vector<16xf32>
      %mul3A_440 = arith.mulf %get3A_421, %get3A_433 : vector<16xf32>
      %add3A_441 = arith.addf %add3A_439, %mul3A_440 : vector<16xf32>
      %mul3A_442 = arith.mulf %get3A_424, %get3A_436 : vector<16xf32>
      %add3A_443 = arith.addf %add3A_441, %mul3A_442 : vector<16xf32>
      %swap3A_444 = arith.constant 4 : i32
      %swap3A_445 = arith.index_cast %swap3A_444 : i32 to index
      %swap3A_446 = arith.constant 0 : index
      %swap3A_447 = tpu.vector_load %arg10[%swap3A_445, %swap3A_446] {strides = array<i32>} : memref<16x17xf32, #tpu.memory_space<vmem>>, vector<16xf32>,
      tpu.vector_store %arg10[%swap3A_445, %swap3A_446], %add3A_443 {strides = array<i32>} : memref<16x17xf32, #tpu.memory_space<vmem>>, vector<16xf32>,
      %mul3A_448 = arith.mulf %get3A_415, %get3A_415 : vector<16xf32>
      %mul3A_449 = arith.mulf %get3A_418, %get3A_418 : vector<16xf32>
      %add3A_450 = arith.addf %mul3A_448, %mul3A_449 : vector<16xf32>
      %mul3A_451 = arith.mulf %get3A_421, %get3A_421 : vector<16xf32>
      %add3A_452 = arith.addf %add3A_450, %mul3A_451 : vector<16xf32>
      %mul3A_453 = arith.mulf %get3A_424, %get3A_424 : vector<16xf32>
      %add3A_454 = arith.addf %add3A_452, %mul3A_453 : vector<16xf32>
      %swap3A_455 = arith.constant 4 : i32
      %swap3A_456 = arith.index_cast %swap3A_455 : i32 to index
      %swap3A_457 = arith.constant 0 : index
      %swap3A_458 = tpu.vector_load %arg11[%swap3A_456, %swap3A_457] {strides = array<i32>} : memref<16x17xf32, #tpu.memory_space<vmem>>, vector<16xf32>,
      tpu.vector_store %arg11[%swap3A_456, %swap3A_457], %add3A_454 {strides = array<i32>} : memref<16x17xf32, #tpu.memory_space<vmem>>, vector<16xf32>,
      %mul3A_459 = arith.mulf %get3A_427, %get3A_427 : vector<16xf32>
      %mul3A_460 = arith.mulf %get3A_430, %get3A_430 : vector<16xf32>
      %add3A_461 = arith.addf %mul3A_459, %mul3A_460 : vector<16xf32>
      %mul3A_462 = arith.mulf %get3A_433, %get3A_433 : vector<16xf32>
      %add3A_463 = arith.addf %add3A_461, %mul3A_462 : vector<16xf32>
      %mul3A_464 = arith.mulf %get3A_436, %get3A_436 : vector<16xf32>
      %add3A_465 = arith.addf %add3A_463, %mul3A_464 : vector<16xf32>
      %swap3A_466 = arith.constant 4 : i32
      %swap3A_467 = arith.index_cast %swap3A_466 : i32 to index
      %swap3A_468 = arith.constant 0 : index
      %swap3A_469 = tpu.vector_load %arg12[%swap3A_467, %swap3A_468] {strides = array<i32>} : memref<16x17xf32, #tpu.memory_space<vmem>>, vector<16xf32>,
      tpu.vector_store %arg12[%swap3A_467, %swap3A_468], %add3A_465 {strides = array<i32>} : memref<16x17xf32, #tpu.memory_space<vmem>>, vector<16xf32>,
      %mul3A_470 = arith.constant 16 : i32
      %mul3A_471 = arith.muli %scan3A_166, %mul3A_470 : i32
      %add3A_472 = arith.constant 5 : i32
      %add3A_473 = arith.addi %mul3A_471, %add3A_472 : i32
      %get3A_474 = arith.index_cast %add3A_473 : i32 to index
      %get3A_475 = arith.constant 0 : index
      %get3A_476 = tpu.vector_load %arg8[%get3A_474, %get3A_475] {strides = array<i32>} : memref<512x64xf32, #tpu.memory_space<vmem>>, vector<16xf32>,
      %get3A_477 = arith.index_cast %add3A_473 : i32 to index
      %get3A_478 = arith.constant 16 : index
      %get3A_479 = tpu.vector_load %arg8[%get3A_477, %get3A_478] {strides = array<i32>} : memref<512x64xf32, #tpu.memory_space<vmem>>, vector<16xf32>,
      %get3A_480 = arith.index_cast %add3A_473 : i32 to index
      %get3A_481 = arith.constant 32 : index
      %get3A_482 = tpu.vector_load %arg8[%get3A_480, %get3A_481] {strides = array<i32>} : memref<512x64xf32, #tpu.memory_space<vmem>>, vector<16xf32>,
      %get3A_483 = arith.index_cast %add3A_473 : i32 to index
      %get3A_484 = arith.constant 48 : index
      %get3A_485 = tpu.vector_load %arg8[%get3A_483, %get3A_484] {strides = array<i32>} : memref<512x64xf32, #tpu.memory_space<vmem>>, vector<16xf32>,
      %get3A_486 = arith.index_cast %add3A_473 : i32 to index
      %get3A_487 = arith.constant 0 : index
      %get3A_488 = tpu.vector_load %arg9[%get3A_486, %get3A_487] {strides = array<i32>} : memref<512x64xf32, #tpu.memory_space<vmem>>, vector<16xf32>,
      %get3A_489 = arith.index_cast %add3A_473 : i32 to index
      %get3A_490 = arith.constant 16 : index
      %get3A_491 = tpu.vector_load %arg9[%get3A_489, %get3A_490] {strides = array<i32>} : memref<512x64xf32, #tpu.memory_space<vmem>>, vector<16xf32>,
      %get3A_492 = arith.index_cast %add3A_473 : i32 to index
      %get3A_493 = arith.constant 32 : index
      %get3A_494 = tpu.vector_load %arg9[%get3A_492, %get3A_493] {strides = array<i32>} : memref<512x64xf32, #tpu.memory_space<vmem>>, vector<16xf32>,
      %get3A_495 = arith.index_cast %add3A_473 : i32 to index
      %get3A_496 = arith.constant 48 : index
      %get3A_497 = tpu.vector_load %arg9[%get3A_495, %get3A_496] {strides = array<i32>} : memref<512x64xf32, #tpu.memory_space<vmem>>, vector<16xf32>,
      %mul3A_498 = arith.mulf %get3A_476, %get3A_488 : vector<16xf32>
      %mul3A_499 = arith.mulf %get3A_479, %get3A_491 : vector<16xf32>
      %add3A_500 = arith.addf %mul3A_498, %mul3A_499 : vector<16xf32>
      %mul3A_501 = arith.mulf %get3A_482, %get3A_494 : vector<16xf32>
      %add3A_502 = arith.addf %add3A_500, %mul3A_501 : vector<16xf32>
      %mul3A_503 = arith.mulf %get3A_485, %get3A_497 : vector<16xf32>
      %add3A_504 = arith.addf %add3A_502, %mul3A_503 : vector<16xf32>
      %swap3A_505 = arith.constant 5 : i32
      %swap3A_506 = arith.index_cast %swap3A_505 : i32 to index
      %swap3A_507 = arith.constant 0 : index
      %swap3A_508 = tpu.vector_load %arg10[%swap3A_506, %swap3A_507] {strides = array<i32>} : memref<16x17xf32, #tpu.memory_space<vmem>>, vector<16xf32>,
      tpu.vector_store %arg10[%swap3A_506, %swap3A_507], %add3A_504 {strides = array<i32>} : memref<16x17xf32, #tpu.memory_space<vmem>>, vector<16xf32>,
      %mul3A_509 = arith.mulf %get3A_476, %get3A_476 : vector<16xf32>
      %mul3A_510 = arith.mulf %get3A_479, %get3A_479 : vector<16xf32>
      %add3A_511 = arith.addf %mul3A_509, %mul3A_510 : vector<16xf32>
      %mul3A_512 = arith.mulf %get3A_482, %get3A_482 : vector<16xf32>
      %add3A_513 = arith.addf %add3A_511, %mul3A_512 : vector<16xf32>
      %mul3A_514 = arith.mulf %get3A_485, %get3A_485 : vector<16xf32>
      %add3A_515 = arith.addf %add3A_513, %mul3A_514 : vector<16xf32>
      %swap3A_516 = arith.constant 5 : i32
      %swap3A_517 = arith.index_cast %swap3A_516 : i32 to index
      %swap3A_518 = arith.constant 0 : index
      %swap3A_519 = tpu.vector_load %arg11[%swap3A_517, %swap3A_518] {strides = array<i32>} : memref<16x17xf32, #tpu.memory_space<vmem>>, vector<16xf32>,
      tpu.vector_store %arg11[%swap3A_517, %swap3A_518], %add3A_515 {strides = array<i32>} : memref<16x17xf32, #tpu.memory_space<vmem>>, vector<16xf32>,
      %mul3A_520 = arith.mulf %get3A_488, %get3A_488 : vector<16xf32>
      %mul3A_521 = arith.mulf %get3A_491, %get3A_491 : vector<16xf32>
      %add3A_522 = arith.addf %mul3A_520, %mul3A_521 : vector<16xf32>
      %mul3A_523 = arith.mulf %get3A_494, %get3A_494 : vector<16xf32>
      %add3A_524 = arith.addf %add3A_522, %mul3A_523 : vector<16xf32>
      %mul3A_525 = arith.mulf %get3A_497, %get3A_497 : vector<16xf32>
      %add3A_526 = arith.addf %add3A_524, %mul3A_525 : vector<16xf32>
      %swap3A_527 = arith.constant 5 : i32
      %swap3A_528 = arith.index_cast %swap3A_527 : i32 to index
      %swap3A_529 = arith.constant 0 : index
      %swap3A_530 = tpu.vector_load %arg12[%swap3A_528, %swap3A_529] {strides = array<i32>} : memref<16x17xf32, #tpu.memory_space<vmem>>, vector<16xf32>,
      tpu.vector_store %arg12[%swap3A_528, %swap3A_529], %add3A_526 {strides = array<i32>} : memref<16x17xf32, #tpu.memory_space<vmem>>, vector<16xf32>,
      %mul3A_531 = arith.constant 16 : i32
      %mul3A_532 = arith.muli %scan3A_166, %mul3A_531 : i32
      %add3A_533 = arith.constant 6 : i32
      %add3A_534 = arith.addi %mul3A_532, %add3A_533 : i32
      %get3A_535 = arith.index_cast %add3A_534 : i32 to index
      %get3A_536 = arith.constant 0 : index
      %get3A_537 = tpu.vector_load %arg8[%get3A_535, %get3A_536] {strides = array<i32>} : memref<512x64xf32, #tpu.memory_space<vmem>>, vector<16xf32>,
      %get3A_538 = arith.index_cast %add3A_534 : i32 to index
      %get3A_539 = arith.constant 16 : index
      %get3A_540 = tpu.vector_load %arg8[%get3A_538, %get3A_539] {strides = array<i32>} : memref<512x64xf32, #tpu.memory_space<vmem>>, vector<16xf32>,
      %get3A_541 = arith.index_cast %add3A_534 : i32 to index
      %get3A_542 = arith.constant 32 : index
      %get3A_543 = tpu.vector_load %arg8[%get3A_541, %get3A_542] {strides = array<i32>} : memref<512x64xf32, #tpu.memory_space<vmem>>, vector<16xf32>,
      %get3A_544 = arith.index_cast %add3A_534 : i32 to index
      %get3A_545 = arith.constant 48 : index
      %get3A_546 = tpu.vector_load %arg8[%get3A_544, %get3A_545] {strides = array<i32>} : memref<512x64xf32, #tpu.memory_space<vmem>>, vector<16xf32>,
      %get3A_547 = arith.index_cast %add3A_534 : i32 to index
      %get3A_548 = arith.constant 0 : index
      %get3A_549 = tpu.vector_load %arg9[%get3A_547, %get3A_548] {strides = array<i32>} : memref<512x64xf32, #tpu.memory_space<vmem>>, vector<16xf32>,
      %get3A_550 = arith.index_cast %add3A_534 : i32 to index
      %get3A_551 = arith.constant 16 : index
      %get3A_552 = tpu.vector_load %arg9[%get3A_550, %get3A_551] {strides = array<i32>} : memref<512x64xf32, #tpu.memory_space<vmem>>, vector<16xf32>,
      %get3A_553 = arith.index_cast %add3A_534 : i32 to index
      %get3A_554 = arith.constant 32 : index
      %get3A_555 = tpu.vector_load %arg9[%get3A_553, %get3A_554] {strides = array<i32>} : memref<512x64xf32, #tpu.memory_space<vmem>>, vector<16xf32>,
      %get3A_556 = arith.index_cast %add3A_534 : i32 to index
      %get3A_557 = arith.constant 48 : index
      %get3A_558 = tpu.vector_load %arg9[%get3A_556, %get3A_557] {strides = array<i32>} : memref<512x64xf32, #tpu.memory_space<vmem>>, vector<16xf32>,
      %mul3A_559 = arith.mulf %get3A_537, %get3A_549 : vector<16xf32>
      %mul3A_560 = arith.mulf %get3A_540, %get3A_552 : vector<16xf32>
      %add3A_561 = arith.addf %mul3A_559, %mul3A_560 : vector<16xf32>
      %mul3A_562 = arith.mulf %get3A_543, %get3A_555 : vector<16xf32>
      %add3A_563 = arith.addf %add3A_561, %mul3A_562 : vector<16xf32>
      %mul3A_564 = arith.mulf %get3A_546, %get3A_558 : vector<16xf32>
      %add3A_565 = arith.addf %add3A_563, %mul3A_564 : vector<16xf32>
      %swap3A_566 = arith.constant 6 : i32
      %swap3A_567 = arith.index_cast %swap3A_566 : i32 to index
      %swap3A_568 = arith.constant 0 : index
      %swap3A_569 = tpu.vector_load %arg10[%swap3A_567, %swap3A_568] {strides = array<i32>} : memref<16x17xf32, #tpu.memory_space<vmem>>, vector<16xf32>,
      tpu.vector_store %arg10[%swap3A_567, %swap3A_568], %add3A_565 {strides = array<i32>} : memref<16x17xf32, #tpu.memory_space<vmem>>, vector<16xf32>,
      %mul3A_570 = arith.mulf %get3A_537, %get3A_537 : vector<16xf32>
      %mul3A_571 = arith.mulf %get3A_540, %get3A_540 : vector<16xf32>
      %add3A_572 = arith.addf %mul3A_570, %mul3A_571 : vector<16xf32>
      %mul3A_573 = arith.mulf %get3A_543, %get3A_543 : vector<16xf32>
      %add3A_574 = arith.addf %add3A_572, %mul3A_573 : vector<16xf32>
      %mul3A_575 = arith.mulf %get3A_546, %get3A_546 : vector<16xf32>
      %add3A_576 = arith.addf %add3A_574, %mul3A_575 : vector<16xf32>
      %swap3A_577 = arith.constant 6 : i32
      %swap3A_578 = arith.index_cast %swap3A_577 : i32 to index
      %swap3A_579 = arith.constant 0 : index
      %swap3A_580 = tpu.vector_load %arg11[%swap3A_578, %swap3A_579] {strides = array<i32>} : memref<16x17xf32, #tpu.memory_space<vmem>>, vector<16xf32>,
      tpu.vector_store %arg11[%swap3A_578, %swap3A_579], %add3A_576 {strides = array<i32>} : memref<16x17xf32, #tpu.memory_space<vmem>>, vector<16xf32>,
      %mul3A_581 = arith.mulf %get3A_549, %get3A_549 : vector<16xf32>
      %mul3A_582 = arith.mulf %get3A_552, %get3A_552 : vector<16xf32>
      %add3A_583 = arith.addf %mul3A_581, %mul3A_582 : vector<16xf32>
      %mul3A_584 = arith.mulf %get3A_555, %get3A_555 : vector<16xf32>
      %add3A_585 = arith.addf %add3A_583, %mul3A_584 : vector<16xf32>
      %mul3A_586 = arith.mulf %get3A_558, %get3A_558 : vector<16xf32>
      %add3A_587 = arith.addf %add3A_585, %mul3A_586 : vector<16xf32>
      %swap3A_588 = arith.constant 6 : i32
      %swap3A_589 = arith.index_cast %swap3A_588 : i32 to index
      %swap3A_590 = arith.constant 0 : index
      %swap3A_591 = tpu.vector_load %arg12[%swap3A_589, %swap3A_590] {strides = array<i32>} : memref<16x17xf32, #tpu.memory_space<vmem>>, vector<16xf32>,
      tpu.vector_store %arg12[%swap3A_589, %swap3A_590], %add3A_587 {strides = array<i32>} : memref<16x17xf32, #tpu.memory_space<vmem>>, vector<16xf32>,
      %mul3A_592 = arith.constant 16 : i32
      %mul3A_593 = arith.muli %scan3A_166, %mul3A_592 : i32
      %add3A_594 = arith.constant 7 : i32
      %add3A_595 = arith.addi %mul3A_593, %add3A_594 : i32
      %get3A_596 = arith.index_cast %add3A_595 : i32 to index
      %get3A_597 = arith.constant 0 : index
      %get3A_598 = tpu.vector_load %arg8[%get3A_596, %get3A_597] {strides = array<i32>} : memref<512x64xf32, #tpu.memory_space<vmem>>, vector<16xf32>,
      %get3A_599 = arith.index_cast %add3A_595 : i32 to index
      %get3A_600 = arith.constant 16 : index
      %get3A_601 = tpu.vector_load %arg8[%get3A_599, %get3A_600] {strides = array<i32>} : memref<512x64xf32, #tpu.memory_space<vmem>>, vector<16xf32>,
      %get3A_602 = arith.index_cast %add3A_595 : i32 to index
      %get3A_603 = arith.constant 32 : index
      %get3A_604 = tpu.vector_load %arg8[%get3A_602, %get3A_603] {strides = array<i32>} : memref<512x64xf32, #tpu.memory_space<vmem>>, vector<16xf32>,
      %get3A_605 = arith.index_cast %add3A_595 : i32 to index
      %get3A_606 = arith.constant 48 : index
      %get3A_607 = tpu.vector_load %arg8[%get3A_605, %get3A_606] {strides = array<i32>} : memref<512x64xf32, #tpu.memory_space<vmem>>, vector<16xf32>,
      %get3A_608 = arith.index_cast %add3A_595 : i32 to index
      %get3A_609 = arith.constant 0 : index
      %get3A_610 = tpu.vector_load %arg9[%get3A_608, %get3A_609] {strides = array<i32>} : memref<512x64xf32, #tpu.memory_space<vmem>>, vector<16xf32>,
      %get3A_611 = arith.index_cast %add3A_595 : i32 to index
      %get3A_612 = arith.constant 16 : index
      %get3A_613 = tpu.vector_load %arg9[%get3A_611, %get3A_612] {strides = array<i32>} : memref<512x64xf32, #tpu.memory_space<vmem>>, vector<16xf32>,
      %get3A_614 = arith.index_cast %add3A_595 : i32 to index
      %get3A_615 = arith.constant 32 : index
      %get3A_616 = tpu.vector_load %arg9[%get3A_614, %get3A_615] {strides = array<i32>} : memref<512x64xf32, #tpu.memory_space<vmem>>, vector<16xf32>,
      %get3A_617 = arith.index_cast %add3A_595 : i32 to index
      %get3A_618 = arith.constant 48 : index
      %get3A_619 = tpu.vector_load %arg9[%get3A_617, %get3A_618] {strides = array<i32>} : memref<512x64xf32, #tpu.memory_space<vmem>>, vector<16xf32>,
      %mul3A_620 = arith.mulf %get3A_598, %get3A_610 : vector<16xf32>
      %mul3A_621 = arith.mulf %get3A_601, %get3A_613 : vector<16xf32>
      %add3A_622 = arith.addf %mul3A_620, %mul3A_621 : vector<16xf32>
      %mul3A_623 = arith.mulf %get3A_604, %get3A_616 : vector<16xf32>
      %add3A_624 = arith.addf %add3A_622, %mul3A_623 : vector<16xf32>
      %mul3A_625 = arith.mulf %get3A_607, %get3A_619 : vector<16xf32>
      %add3A_626 = arith.addf %add3A_624, %mul3A_625 : vector<16xf32>
      %swap3A_627 = arith.constant 7 : i32
      %swap3A_628 = arith.index_cast %swap3A_627 : i32 to index
      %swap3A_629 = arith.constant 0 : index
      %swap3A_630 = tpu.vector_load %arg10[%swap3A_628, %swap3A_629] {strides = array<i32>} : memref<16x17xf32, #tpu.memory_space<vmem>>, vector<16xf32>,
      tpu.vector_store %arg10[%swap3A_628, %swap3A_629], %add3A_626 {strides = array<i32>} : memref<16x17xf32, #tpu.memory_space<vmem>>, vector<16xf32>,
      %mul3A_631 = arith.mulf %get3A_598, %get3A_598 : vector<16xf32>
      %mul3A_632 = arith.mulf %get3A_601, %get3A_601 : vector<16xf32>
      %add3A_633 = arith.addf %mul3A_631, %mul3A_632 : vector<16xf32>
      %mul3A_634 = arith.mulf %get3A_604, %get3A_604 : vector<16xf32>
      %add3A_635 = arith.addf %add3A_633, %mul3A_634 : vector<16xf32>
      %mul3A_636 = arith.mulf %get3A_607, %get3A_607 : vector<16xf32>
      %add3A_637 = arith.addf %add3A_635, %mul3A_636 : vector<16xf32>
      %swap3A_638 = arith.constant 7 : i32
      %swap3A_639 = arith.index_cast %swap3A_638 : i32 to index
      %swap3A_640 = arith.constant 0 : index
      %swap3A_641 = tpu.vector_load %arg11[%swap3A_639, %swap3A_640] {strides = array<i32>} : memref<16x17xf32, #tpu.memory_space<vmem>>, vector<16xf32>,
      tpu.vector_store %arg11[%swap3A_639, %swap3A_640], %add3A_637 {strides = array<i32>} : memref<16x17xf32, #tpu.memory_space<vmem>>, vector<16xf32>,
      %mul3A_642 = arith.mulf %get3A_610, %get3A_610 : vector<16xf32>
      %mul3A_643 = arith.mulf %get3A_613, %get3A_613 : vector<16xf32>
      %add3A_644 = arith.addf %mul3A_642, %mul3A_643 : vector<16xf32>
      %mul3A_645 = arith.mulf %get3A_616, %get3A_616 : vector<16xf32>
      %add3A_646 = arith.addf %add3A_644, %mul3A_645 : vector<16xf32>
      %mul3A_647 = arith.mulf %get3A_619, %get3A_619 : vector<16xf32>
      %add3A_648 = arith.addf %add3A_646, %mul3A_647 : vector<16xf32>
      %swap3A_649 = arith.constant 7 : i32
      %swap3A_650 = arith.index_cast %swap3A_649 : i32 to index
      %swap3A_651 = arith.constant 0 : index
      %swap3A_652 = tpu.vector_load %arg12[%swap3A_650, %swap3A_651] {strides = array<i32>} : memref<16x17xf32, #tpu.memory_space<vmem>>, vector<16xf32>,
      tpu.vector_store %arg12[%swap3A_650, %swap3A_651], %add3A_648 {strides = array<i32>} : memref<16x17xf32, #tpu.memory_space<vmem>>, vector<16xf32>,
      %mul3A_653 = arith.constant 16 : i32
      %mul3A_654 = arith.muli %scan3A_166, %mul3A_653 : i32
      %add3A_655 = arith.constant 8 : i32
      %add3A_656 = arith.addi %mul3A_654, %add3A_655 : i32
      %get3A_657 = arith.index_cast %add3A_656 : i32 to index
      %get3A_658 = arith.constant 0 : index
      %get3A_659 = tpu.vector_load %arg8[%get3A_657, %get3A_658] {strides = array<i32>} : memref<512x64xf32, #tpu.memory_space<vmem>>, vector<16xf32>,
      %get3A_660 = arith.index_cast %add3A_656 : i32 to index
      %get3A_661 = arith.constant 16 : index
      %get3A_662 = tpu.vector_load %arg8[%get3A_660, %get3A_661] {strides = array<i32>} : memref<512x64xf32, #tpu.memory_space<vmem>>, vector<16xf32>,
      %get3A_663 = arith.index_cast %add3A_656 : i32 to index
      %get3A_664 = arith.constant 32 : index
      %get3A_665 = tpu.vector_load %arg8[%get3A_663, %get3A_664] {strides = array<i32>} : memref<512x64xf32, #tpu.memory_space<vmem>>, vector<16xf32>,
      %get3A_666 = arith.index_cast %add3A_656 : i32 to index
      %get3A_667 = arith.constant 48 : index
      %get3A_668 = tpu.vector_load %arg8[%get3A_666, %get3A_667] {strides = array<i32>} : memref<512x64xf32, #tpu.memory_space<vmem>>, vector<16xf32>,
      %get3A_669 = arith.index_cast %add3A_656 : i32 to index
      %get3A_670 = arith.constant 0 : index
      %get3A_671 = tpu.vector_load %arg9[%get3A_669, %get3A_670] {strides = array<i32>} : memref<512x64xf32, #tpu.memory_space<vmem>>, vector<16xf32>,
      %get3A_672 = arith.index_cast %add3A_656 : i32 to index
      %get3A_673 = arith.constant 16 : index
      %get3A_674 = tpu.vector_load %arg9[%get3A_672, %get3A_673] {strides = array<i32>} : memref<512x64xf32, #tpu.memory_space<vmem>>, vector<16xf32>,
      %get3A_675 = arith.index_cast %add3A_656 : i32 to index
      %get3A_676 = arith.constant 32 : index
      %get3A_677 = tpu.vector_load %arg9[%get3A_675, %get3A_676] {strides = array<i32>} : memref<512x64xf32, #tpu.memory_space<vmem>>, vector<16xf32>,
      %get3A_678 = arith.index_cast %add3A_656 : i32 to index
      %get3A_679 = arith.constant 48 : index
      %get3A_680 = tpu.vector_load %arg9[%get3A_678, %get3A_679] {strides = array<i32>} : memref<512x64xf32, #tpu.memory_space<vmem>>, vector<16xf32>,
      %mul3A_681 = arith.mulf %get3A_659, %get3A_671 : vector<16xf32>
      %mul3A_682 = arith.mulf %get3A_662, %get3A_674 : vector<16xf32>
      %add3A_683 = arith.addf %mul3A_681, %mul3A_682 : vector<16xf32>
      %mul3A_684 = arith.mulf %get3A_665, %get3A_677 : vector<16xf32>
      %add3A_685 = arith.addf %add3A_683, %mul3A_684 : vector<16xf32>
      %mul3A_686 = arith.mulf %get3A_668, %get3A_680 : vector<16xf32>
      %add3A_687 = arith.addf %add3A_685, %mul3A_686 : vector<16xf32>
      %swap3A_688 = arith.constant 8 : i32
      %swap3A_689 = arith.index_cast %swap3A_688 : i32 to index
      %swap3A_690 = arith.constant 0 : index
      %swap3A_691 = tpu.vector_load %arg10[%swap3A_689, %swap3A_690] {strides = array<i32>} : memref<16x17xf32, #tpu.memory_space<vmem>>, vector<16xf32>,
      tpu.vector_store %arg10[%swap3A_689, %swap3A_690], %add3A_687 {strides = array<i32>} : memref<16x17xf32, #tpu.memory_space<vmem>>, vector<16xf32>,
      %mul3A_692 = arith.mulf %get3A_659, %get3A_659 : vector<16xf32>
      %mul3A_693 = arith.mulf %get3A_662, %get3A_662 : vector<16xf32>
      %add3A_694 = arith.addf %mul3A_692, %mul3A_693 : vector<16xf32>
      %mul3A_695 = arith.mulf %get3A_665, %get3A_665 : vector<16xf32>
      %add3A_696 = arith.addf %add3A_694, %mul3A_695 : vector<16xf32>
      %mul3A_697 = arith.mulf %get3A_668, %get3A_668 : vector<16xf32>
      %add3A_698 = arith.addf %add3A_696, %mul3A_697 : vector<16xf32>
      %swap3A_699 = arith.constant 8 : i32
      %swap3A_700 = arith.index_cast %swap3A_699 : i32 to index
      %swap3A_701 = arith.constant 0 : index
      %swap3A_702 = tpu.vector_load %arg11[%swap3A_700, %swap3A_701] {strides = array<i32>} : memref<16x17xf32, #tpu.memory_space<vmem>>, vector<16xf32>,
      tpu.vector_store %arg11[%swap3A_700, %swap3A_701], %add3A_698 {strides = array<i32>} : memref<16x17xf32, #tpu.memory_space<vmem>>, vector<16xf32>,
      %mul3A_703 = arith.mulf %get3A_671, %get3A_671 : vector<16xf32>
      %mul3A_704 = arith.mulf %get3A_674, %get3A_674 : vector<16xf32>
      %add3A_705 = arith.addf %mul3A_703, %mul3A_704 : vector<16xf32>
      %mul3A_706 = arith.mulf %get3A_677, %get3A_677 : vector<16xf32>
      %add3A_707 = arith.addf %add3A_705, %mul3A_706 : vector<16xf32>
      %mul3A_708 = arith.mulf %get3A_680, %get3A_680 : vector<16xf32>
      %add3A_709 = arith.addf %add3A_707, %mul3A_708 : vector<16xf32>
      %swap3A_710 = arith.constant 8 : i32
      %swap3A_711 = arith.index_cast %swap3A_710 : i32 to index
      %swap3A_712 = arith.constant 0 : index
      %swap3A_713 = tpu.vector_load %arg12[%swap3A_711, %swap3A_712] {strides = array<i32>} : memref<16x17xf32, #tpu.memory_space<vmem>>, vector<16xf32>,
      tpu.vector_store %arg12[%swap3A_711, %swap3A_712], %add3A_709 {strides = array<i32>} : memref<16x17xf32, #tpu.memory_space<vmem>>, vector<16xf32>,
      %mul3A_714 = arith.constant 16 : i32
      %mul3A_715 = arith.muli %scan3A_166, %mul3A_714 : i32
      %add3A_716 = arith.constant 9 : i32
      %add3A_717 = arith.addi %mul3A_715, %add3A_716 : i32
      %get3A_718 = arith.index_cast %add3A_717 : i32 to index
      %get3A_719 = arith.constant 0 : index
      %get3A_720 = tpu.vector_load %arg8[%get3A_718, %get3A_719] {strides = array<i32>} : memref<512x64xf32, #tpu.memory_space<vmem>>, vector<16xf32>,
      %get3A_721 = arith.index_cast %add3A_717 : i32 to index
      %get3A_722 = arith.constant 16 : index
      %get3A_723 = tpu.vector_load %arg8[%get3A_721, %get3A_722] {strides = array<i32>} : memref<512x64xf32, #tpu.memory_space<vmem>>, vector<16xf32>,
      %get3A_724 = arith.index_cast %add3A_717 : i32 to index
      %get3A_725 = arith.constant 32 : index
      %get3A_726 = tpu.vector_load %arg8[%get3A_724, %get3A_725] {strides = array<i32>} : memref<512x64xf32, #tpu.memory_space<vmem>>, vector<16xf32>,
      %get3A_727 = arith.index_cast %add3A_717 : i32 to index
      %get3A_728 = arith.constant 48 : index
      %get3A_729 = tpu.vector_load %arg8[%get3A_727, %get3A_728] {strides = array<i32>} : memref<512x64xf32, #tpu.memory_space<vmem>>, vector<16xf32>,
      %get3A_730 = arith.index_cast %add3A_717 : i32 to index
      %get3A_731 = arith.constant 0 : index
      %get3A_732 = tpu.vector_load %arg9[%get3A_730, %get3A_731] {strides = array<i32>} : memref<512x64xf32, #tpu.memory_space<vmem>>, vector<16xf32>,
      %get3A_733 = arith.index_cast %add3A_717 : i32 to index
      %get3A_734 = arith.constant 16 : index
      %get3A_735 = tpu.vector_load %arg9[%get3A_733, %get3A_734] {strides = array<i32>} : memref<512x64xf32, #tpu.memory_space<vmem>>, vector<16xf32>,
      %get3A_736 = arith.index_cast %add3A_717 : i32 to index
      %get3A_737 = arith.constant 32 : index
      %get3A_738 = tpu.vector_load %arg9[%get3A_736, %get3A_737] {strides = array<i32>} : memref<512x64xf32, #tpu.memory_space<vmem>>, vector<16xf32>,
      %get3A_739 = arith.index_cast %add3A_717 : i32 to index
      %get3A_740 = arith.constant 48 : index
      %get3A_741 = tpu.vector_load %arg9[%get3A_739, %get3A_740] {strides = array<i32>} : memref<512x64xf32, #tpu.memory_space<vmem>>, vector<16xf32>,
      %mul3A_742 = arith.mulf %get3A_720, %get3A_732 : vector<16xf32>
      %mul3A_743 = arith.mulf %get3A_723, %get3A_735 : vector<16xf32>
      %add3A_744 = arith.addf %mul3A_742, %mul3A_743 : vector<16xf32>
      %mul3A_745 = arith.mulf %get3A_726, %get3A_738 : vector<16xf32>
      %add3A_746 = arith.addf %add3A_744, %mul3A_745 : vector<16xf32>
      %mul3A_747 = arith.mulf %get3A_729, %get3A_741 : vector<16xf32>
      %add3A_748 = arith.addf %add3A_746, %mul3A_747 : vector<16xf32>
      %swap3A_749 = arith.constant 9 : i32
      %swap3A_750 = arith.index_cast %swap3A_749 : i32 to index
      %swap3A_751 = arith.constant 0 : index
      %swap3A_752 = tpu.vector_load %arg10[%swap3A_750, %swap3A_751] {strides = array<i32>} : memref<16x17xf32, #tpu.memory_space<vmem>>, vector<16xf32>,
      tpu.vector_store %arg10[%swap3A_750, %swap3A_751], %add3A_748 {strides = array<i32>} : memref<16x17xf32, #tpu.memory_space<vmem>>, vector<16xf32>,
      %mul3A_753 = arith.mulf %get3A_720, %get3A_720 : vector<16xf32>
      %mul3A_754 = arith.mulf %get3A_723, %get3A_723 : vector<16xf32>
      %add3A_755 = arith.addf %mul3A_753, %mul3A_754 : vector<16xf32>
      %mul3A_756 = arith.mulf %get3A_726, %get3A_726 : vector<16xf32>
      %add3A_757 = arith.addf %add3A_755, %mul3A_756 : vector<16xf32>
      %mul3A_758 = arith.mulf %get3A_729, %get3A_729 : vector<16xf32>
      %add3A_759 = arith.addf %add3A_757, %mul3A_758 : vector<16xf32>
      %swap3A_760 = arith.constant 9 : i32
      %swap3A_761 = arith.index_cast %swap3A_760 : i32 to index
      %swap3A_762 = arith.constant 0 : index
      %swap3A_763 = tpu.vector_load %arg11[%swap3A_761, %swap3A_762] {strides = array<i32>} : memref<16x17xf32, #tpu.memory_space<vmem>>, vector<16xf32>,
      tpu.vector_store %arg11[%swap3A_761, %swap3A_762], %add3A_759 {strides = array<i32>} : memref<16x17xf32, #tpu.memory_space<vmem>>, vector<16xf32>,
      %mul3A_764 = arith.mulf %get3A_732, %get3A_732 : vector<16xf32>
      %mul3A_765 = arith.mulf %get3A_735, %get3A_735 : vector<16xf32>
      %add3A_766 = arith.addf %mul3A_764, %mul3A_765 : vector<16xf32>
      %mul3A_767 = arith.mulf %get3A_738, %get3A_738 : vector<16xf32>
      %add3A_768 = arith.addf %add3A_766, %mul3A_767 : vector<16xf32>
      %mul3A_769 = arith.mulf %get3A_741, %get3A_741 : vector<16xf32>
      %add3A_770 = arith.addf %add3A_768, %mul3A_769 : vector<16xf32>
      %swap3A_771 = arith.constant 9 : i32
      %swap3A_772 = arith.index_cast %swap3A_771 : i32 to index
      %swap3A_773 = arith.constant 0 : index
      %swap3A_774 = tpu.vector_load %arg12[%swap3A_772, %swap3A_773] {strides = array<i32>} : memref<16x17xf32, #tpu.memory_space<vmem>>, vector<16xf32>,
      tpu.vector_store %arg12[%swap3A_772, %swap3A_773], %add3A_770 {strides = array<i32>} : memref<16x17xf32, #tpu.memory_space<vmem>>, vector<16xf32>,
      %mul3A_775 = arith.constant 16 : i32
      %mul3A_776 = arith.muli %scan3A_166, %mul3A_775 : i32
      %add3A_777 = arith.constant 10 : i32
      %add3A_778 = arith.addi %mul3A_776, %add3A_777 : i32
      %get3A_779 = arith.index_cast %add3A_778 : i32 to index
      %get3A_780 = arith.constant 0 : index
      %get3A_781 = tpu.vector_load %arg8[%get3A_779, %get3A_780] {strides = array<i32>} : memref<512x64xf32, #tpu.memory_space<vmem>>, vector<16xf32>,
      %get3A_782 = arith.index_cast %add3A_778 : i32 to index
      %get3A_783 = arith.constant 16 : index
      %get3A_784 = tpu.vector_load %arg8[%get3A_782, %get3A_783] {strides = array<i32>} : memref<512x64xf32, #tpu.memory_space<vmem>>, vector<16xf32>,
      %get3A_785 = arith.index_cast %add3A_778 : i32 to index
      %get3A_786 = arith.constant 32 : index
      %get3A_787 = tpu.vector_load %arg8[%get3A_785, %get3A_786] {strides = array<i32>} : memref<512x64xf32, #tpu.memory_space<vmem>>, vector<16xf32>,
      %get3A_788 = arith.index_cast %add3A_778 : i32 to index
      %get3A_789 = arith.constant 48 : index
      %get3A_790 = tpu.vector_load %arg8[%get3A_788, %get3A_789] {strides = array<i32>} : memref<512x64xf32, #tpu.memory_space<vmem>>, vector<16xf32>,
      %get3A_791 = arith.index_cast %add3A_778 : i32 to index
      %get3A_792 = arith.constant 0 : index
      %get3A_793 = tpu.vector_load %arg9[%get3A_791, %get3A_792] {strides = array<i32>} : memref<512x64xf32, #tpu.memory_space<vmem>>, vector<16xf32>,
      %get3A_794 = arith.index_cast %add3A_778 : i32 to index
      %get3A_795 = arith.constant 16 : index
      %get3A_796 = tpu.vector_load %arg9[%get3A_794, %get3A_795] {strides = array<i32>} : memref<512x64xf32, #tpu.memory_space<vmem>>, vector<16xf32>,
      %get3A_797 = arith.index_cast %add3A_778 : i32 to index
      %get3A_798 = arith.constant 32 : index
      %get3A_799 = tpu.vector_load %arg9[%get3A_797, %get3A_798] {strides = array<i32>} : memref<512x64xf32, #tpu.memory_space<vmem>>, vector<16xf32>,
      %get3A_800 = arith.index_cast %add3A_778 : i32 to index
      %get3A_801 = arith.constant 48 : index
      %get3A_802 = tpu.vector_load %arg9[%get3A_800, %get3A_801] {strides = array<i32>} : memref<512x64xf32, #tpu.memory_space<vmem>>, vector<16xf32>,
      %mul3A_803 = arith.mulf %get3A_781, %get3A_793 : vector<16xf32>
      %mul3A_804 = arith.mulf %get3A_784, %get3A_796 : vector<16xf32>
      %add3A_805 = arith.addf %mul3A_803, %mul3A_804 : vector<16xf32>
      %mul3A_806 = arith.mulf %get3A_787, %get3A_799 : vector<16xf32>
      %add3A_807 = arith.addf %add3A_805, %mul3A_806 : vector<16xf32>
      %mul3A_808 = arith.mulf %get3A_790, %get3A_802 : vector<16xf32>
      %add3A_809 = arith.addf %add3A_807, %mul3A_808 : vector<16xf32>
      %swap3A_810 = arith.constant 10 : i32
      %swap3A_811 = arith.index_cast %swap3A_810 : i32 to index
      %swap3A_812 = arith.constant 0 : index
      %swap3A_813 = tpu.vector_load %arg10[%swap3A_811, %swap3A_812] {strides = array<i32>} : memref<16x17xf32, #tpu.memory_space<vmem>>, vector<16xf32>,
      tpu.vector_store %arg10[%swap3A_811, %swap3A_812], %add3A_809 {strides = array<i32>} : memref<16x17xf32, #tpu.memory_space<vmem>>, vector<16xf32>,
      %mul3A_814 = arith.mulf %get3A_781, %get3A_781 : vector<16xf32>
      %mul3A_815 = arith.mulf %get3A_784, %get3A_784 : vector<16xf32>
      %add3A_816 = arith.addf %mul3A_814, %mul3A_815 : vector<16xf32>
      %mul3A_817 = arith.mulf %get3A_787, %get3A_787 : vector<16xf32>
      %add3A_818 = arith.addf %add3A_816, %mul3A_817 : vector<16xf32>
      %mul3A_819 = arith.mulf %get3A_790, %get3A_790 : vector<16xf32>
      %add3A_820 = arith.addf %add3A_818, %mul3A_819 : vector<16xf32>
      %swap3A_821 = arith.constant 10 : i32
      %swap3A_822 = arith.index_cast %swap3A_821 : i32 to index
      %swap3A_823 = arith.constant 0 : index
      %swap3A_824 = tpu.vector_load %arg11[%swap3A_822, %swap3A_823] {strides = array<i32>} : memref<16x17xf32, #tpu.memory_space<vmem>>, vector<16xf32>,
      tpu.vector_store %arg11[%swap3A_822, %swap3A_823], %add3A_820 {strides = array<i32>} : memref<16x17xf32, #tpu.memory_space<vmem>>, vector<16xf32>,
      %mul3A_825 = arith.mulf %get3A_793, %get3A_793 : vector<16xf32>
      %mul3A_826 = arith.mulf %get3A_796, %get3A_796 : vector<16xf32>
      %add3A_827 = arith.addf %mul3A_825, %mul3A_826 : vector<16xf32>
      %mul3A_828 = arith.mulf %get3A_799, %get3A_799 : vector<16xf32>
      %add3A_829 = arith.addf %add3A_827, %mul3A_828 : vector<16xf32>
      %mul3A_830 = arith.mulf %get3A_802, %get3A_802 : vector<16xf32>
      %add3A_831 = arith.addf %add3A_829, %mul3A_830 : vector<16xf32>
      %swap3A_832 = arith.constant 10 : i32
      %swap3A_833 = arith.index_cast %swap3A_832 : i32 to index
      %swap3A_834 = arith.constant 0 : index
      %swap3A_835 = tpu.vector_load %arg12[%swap3A_833, %swap3A_834] {strides = array<i32>} : memref<16x17xf32, #tpu.memory_space<vmem>>, vector<16xf32>,
      tpu.vector_store %arg12[%swap3A_833, %swap3A_834], %add3A_831 {strides = array<i32>} : memref<16x17xf32, #tpu.memory_space<vmem>>, vector<16xf32>,
      %mul3A_836 = arith.constant 16 : i32
      %mul3A_837 = arith.muli %scan3A_166, %mul3A_836 : i32
      %add3A_838 = arith.constant 11 : i32
      %add3A_839 = arith.addi %mul3A_837, %add3A_838 : i32
      %get3A_840 = arith.index_cast %add3A_839 : i32 to index
      %get3A_841 = arith.constant 0 : index
      %get3A_842 = tpu.vector_load %arg8[%get3A_840, %get3A_841] {strides = array<i32>} : memref<512x64xf32, #tpu.memory_space<vmem>>, vector<16xf32>,
      %get3A_843 = arith.index_cast %add3A_839 : i32 to index
      %get3A_844 = arith.constant 16 : index
      %get3A_845 = tpu.vector_load %arg8[%get3A_843, %get3A_844] {strides = array<i32>} : memref<512x64xf32, #tpu.memory_space<vmem>>, vector<16xf32>,
      %get3A_846 = arith.index_cast %add3A_839 : i32 to index
      %get3A_847 = arith.constant 32 : index
      %get3A_848 = tpu.vector_load %arg8[%get3A_846, %get3A_847] {strides = array<i32>} : memref<512x64xf32, #tpu.memory_space<vmem>>, vector<16xf32>,
      %get3A_849 = arith.index_cast %add3A_839 : i32 to index
      %get3A_850 = arith.constant 48 : index
      %get3A_851 = tpu.vector_load %arg8[%get3A_849, %get3A_850] {strides = array<i32>} : memref<512x64xf32, #tpu.memory_space<vmem>>, vector<16xf32>,
      %get3A_852 = arith.index_cast %add3A_839 : i32 to index
      %get3A_853 = arith.constant 0 : index
      %get3A_854 = tpu.vector_load %arg9[%get3A_852, %get3A_853] {strides = array<i32>} : memref<512x64xf32, #tpu.memory_space<vmem>>, vector<16xf32>,
      %get3A_855 = arith.index_cast %add3A_839 : i32 to index
      %get3A_856 = arith.constant 16 : index
      %get3A_857 = tpu.vector_load %arg9[%get3A_855, %get3A_856] {strides = array<i32>} : memref<512x64xf32, #tpu.memory_space<vmem>>, vector<16xf32>,
      %get3A_858 = arith.index_cast %add3A_839 : i32 to index
      %get3A_859 = arith.constant 32 : index
      %get3A_860 = tpu.vector_load %arg9[%get3A_858, %get3A_859] {strides = array<i32>} : memref<512x64xf32, #tpu.memory_space<vmem>>, vector<16xf32>,
      %get3A_861 = arith.index_cast %add3A_839 : i32 to index
      %get3A_862 = arith.constant 48 : index
      %get3A_863 = tpu.vector_load %arg9[%get3A_861, %get3A_862] {strides = array<i32>} : memref<512x64xf32, #tpu.memory_space<vmem>>, vector<16xf32>,
      %mul3A_864 = arith.mulf %get3A_842, %get3A_854 : vector<16xf32>
      %mul3A_865 = arith.mulf %get3A_845, %get3A_857 : vector<16xf32>
      %add3A_866 = arith.addf %mul3A_864, %mul3A_865 : vector<16xf32>
      %mul3A_867 = arith.mulf %get3A_848, %get3A_860 : vector<16xf32>
      %add3A_868 = arith.addf %add3A_866, %mul3A_867 : vector<16xf32>
      %mul3A_869 = arith.mulf %get3A_851, %get3A_863 : vector<16xf32>
      %add3A_870 = arith.addf %add3A_868, %mul3A_869 : vector<16xf32>
      %swap3A_871 = arith.constant 11 : i32
      %swap3A_872 = arith.index_cast %swap3A_871 : i32 to index
      %swap3A_873 = arith.constant 0 : index
      %swap3A_874 = tpu.vector_load %arg10[%swap3A_872, %swap3A_873] {strides = array<i32>} : memref<16x17xf32, #tpu.memory_space<vmem>>, vector<16xf32>,
      tpu.vector_store %arg10[%swap3A_872, %swap3A_873], %add3A_870 {strides = array<i32>} : memref<16x17xf32, #tpu.memory_space<vmem>>, vector<16xf32>,
      %mul3A_875 = arith.mulf %get3A_842, %get3A_842 : vector<16xf32>
      %mul3A_876 = arith.mulf %get3A_845, %get3A_845 : vector<16xf32>
      %add3A_877 = arith.addf %mul3A_875, %mul3A_876 : vector<16xf32>
      %mul3A_878 = arith.mulf %get3A_848, %get3A_848 : vector<16xf32>
      %add3A_879 = arith.addf %add3A_877, %mul3A_878 : vector<16xf32>
      %mul3A_880 = arith.mulf %get3A_851, %get3A_851 : vector<16xf32>
      %add3A_881 = arith.addf %add3A_879, %mul3A_880 : vector<16xf32>
      %swap3A_882 = arith.constant 11 : i32
      %swap3A_883 = arith.index_cast %swap3A_882 : i32 to index
      %swap3A_884 = arith.constant 0 : index
      %swap3A_885 = tpu.vector_load %arg11[%swap3A_883, %swap3A_884] {strides = array<i32>} : memref<16x17xf32, #tpu.memory_space<vmem>>, vector<16xf32>,
      tpu.vector_store %arg11[%swap3A_883, %swap3A_884], %add3A_881 {strides = array<i32>} : memref<16x17xf32, #tpu.memory_space<vmem>>, vector<16xf32>,
      %mul3A_886 = arith.mulf %get3A_854, %get3A_854 : vector<16xf32>
      %mul3A_887 = arith.mulf %get3A_857, %get3A_857 : vector<16xf32>
      %add3A_888 = arith.addf %mul3A_886, %mul3A_887 : vector<16xf32>
      %mul3A_889 = arith.mulf %get3A_860, %get3A_860 : vector<16xf32>
      %add3A_890 = arith.addf %add3A_888, %mul3A_889 : vector<16xf32>
      %mul3A_891 = arith.mulf %get3A_863, %get3A_863 : vector<16xf32>
      %add3A_892 = arith.addf %add3A_890, %mul3A_891 : vector<16xf32>
      %swap3A_893 = arith.constant 11 : i32
      %swap3A_894 = arith.index_cast %swap3A_893 : i32 to index
      %swap3A_895 = arith.constant 0 : index
      %swap3A_896 = tpu.vector_load %arg12[%swap3A_894, %swap3A_895] {strides = array<i32>} : memref<16x17xf32, #tpu.memory_space<vmem>>, vector<16xf32>,
      tpu.vector_store %arg12[%swap3A_894, %swap3A_895], %add3A_892 {strides = array<i32>} : memref<16x17xf32, #tpu.memory_space<vmem>>, vector<16xf32>,
      %mul3A_897 = arith.constant 16 : i32
      %mul3A_898 = arith.muli %scan3A_166, %mul3A_897 : i32
      %add3A_899 = arith.constant 12 : i32
      %add3A_900 = arith.addi %mul3A_898, %add3A_899 : i32
      %get3A_901 = arith.index_cast %add3A_900 : i32 to index
      %get3A_902 = arith.constant 0 : index
      %get3A_903 = tpu.vector_load %arg8[%get3A_901, %get3A_902] {strides = array<i32>} : memref<512x64xf32, #tpu.memory_space<vmem>>, vector<16xf32>,
      %get3A_904 = arith.index_cast %add3A_900 : i32 to index
      %get3A_905 = arith.constant 16 : index
      %get3A_906 = tpu.vector_load %arg8[%get3A_904, %get3A_905] {strides = array<i32>} : memref<512x64xf32, #tpu.memory_space<vmem>>, vector<16xf32>,
      %get3A_907 = arith.index_cast %add3A_900 : i32 to index
      %get3A_908 = arith.constant 32 : index
      %get3A_909 = tpu.vector_load %arg8[%get3A_907, %get3A_908] {strides = array<i32>} : memref<512x64xf32, #tpu.memory_space<vmem>>, vector<16xf32>,
      %get3A_910 = arith.index_cast %add3A_900 : i32 to index
      %get3A_911 = arith.constant 48 : index
      %get3A_912 = tpu.vector_load %arg8[%get3A_910, %get3A_911] {strides = array<i32>} : memref<512x64xf32, #tpu.memory_space<vmem>>, vector<16xf32>,
      %get3A_913 = arith.index_cast %add3A_900 : i32 to index
      %get3A_914 = arith.constant 0 : index
      %get3A_915 = tpu.vector_load %arg9[%get3A_913, %get3A_914] {strides = array<i32>} : memref<512x64xf32, #tpu.memory_space<vmem>>, vector<16xf32>,
      %get3A_916 = arith.index_cast %add3A_900 : i32 to index
      %get3A_917 = arith.constant 16 : index
      %get3A_918 = tpu.vector_load %arg9[%get3A_916, %get3A_917] {strides = array<i32>} : memref<512x64xf32, #tpu.memory_space<vmem>>, vector<16xf32>,
      %get3A_919 = arith.index_cast %add3A_900 : i32 to index
      %get3A_920 = arith.constant 32 : index
      %get3A_921 = tpu.vector_load %arg9[%get3A_919, %get3A_920] {strides = array<i32>} : memref<512x64xf32, #tpu.memory_space<vmem>>, vector<16xf32>,
      %get3A_922 = arith.index_cast %add3A_900 : i32 to index
      %get3A_923 = arith.constant 48 : index
      %get3A_924 = tpu.vector_load %arg9[%get3A_922, %get3A_923] {strides = array<i32>} : memref<512x64xf32, #tpu.memory_space<vmem>>, vector<16xf32>,
      %mul3A_925 = arith.mulf %get3A_903, %get3A_915 : vector<16xf32>
      %mul3A_926 = arith.mulf %get3A_906, %get3A_918 : vector<16xf32>
      %add3A_927 = arith.addf %mul3A_925, %mul3A_926 : vector<16xf32>
      %mul3A_928 = arith.mulf %get3A_909, %get3A_921 : vector<16xf32>
      %add3A_929 = arith.addf %add3A_927, %mul3A_928 : vector<16xf32>
      %mul3A_930 = arith.mulf %get3A_912, %get3A_924 : vector<16xf32>
      %add3A_931 = arith.addf %add3A_929, %mul3A_930 : vector<16xf32>
      %swap3A_932 = arith.constant 12 : i32
      %swap3A_933 = arith.index_cast %swap3A_932 : i32 to index
      %swap3A_934 = arith.constant 0 : index
      %swap3A_935 = tpu.vector_load %arg10[%swap3A_933, %swap3A_934] {strides = array<i32>} : memref<16x17xf32, #tpu.memory_space<vmem>>, vector<16xf32>,
      tpu.vector_store %arg10[%swap3A_933, %swap3A_934], %add3A_931 {strides = array<i32>} : memref<16x17xf32, #tpu.memory_space<vmem>>, vector<16xf32>,
      %mul3A_936 = arith.mulf %get3A_903, %get3A_903 : vector<16xf32>
      %mul3A_937 = arith.mulf %get3A_906, %get3A_906 : vector<16xf32>
      %add3A_938 = arith.addf %mul3A_936, %mul3A_937 : vector<16xf32>
      %mul3A_939 = arith.mulf %get3A_909, %get3A_909 : vector<16xf32>
      %add3A_940 = arith.addf %add3A_938, %mul3A_939 : vector<16xf32>
      %mul3A_941 = arith.mulf %get3A_912, %get3A_912 : vector<16xf32>
      %add3A_942 = arith.addf %add3A_940, %mul3A_941 : vector<16xf32>
      %swap3A_943 = arith.constant 12 : i32
      %swap3A_944 = arith.index_cast %swap3A_943 : i32 to index
      %swap3A_945 = arith.constant 0 : index
      %swap3A_946 = tpu.vector_load %arg11[%swap3A_944, %swap3A_945] {strides = array<i32>} : memref<16x17xf32, #tpu.memory_space<vmem>>, vector<16xf32>,
      tpu.vector_store %arg11[%swap3A_944, %swap3A_945], %add3A_942 {strides = array<i32>} : memref<16x17xf32, #tpu.memory_space<vmem>>, vector<16xf32>,
      %mul3A_947 = arith.mulf %get3A_915, %get3A_915 : vector<16xf32>
      %mul3A_948 = arith.mulf %get3A_918, %get3A_918 : vector<16xf32>
      %add3A_949 = arith.addf %mul3A_947, %mul3A_948 : vector<16xf32>
      %mul3A_950 = arith.mulf %get3A_921, %get3A_921 : vector<16xf32>
      %add3A_951 = arith.addf %add3A_949, %mul3A_950 : vector<16xf32>
      %mul3A_952 = arith.mulf %get3A_924, %get3A_924 : vector<16xf32>
      %add3A_953 = arith.addf %add3A_951, %mul3A_952 : vector<16xf32>
      %swap3A_954 = arith.constant 12 : i32
      %swap3A_955 = arith.index_cast %swap3A_954 : i32 to index
      %swap3A_956 = arith.constant 0 : index
      %swap3A_957 = tpu.vector_load %arg12[%swap3A_955, %swap3A_956] {strides = array<i32>} : memref<16x17xf32, #tpu.memory_space<vmem>>, vector<16xf32>,
      tpu.vector_store %arg12[%swap3A_955, %swap3A_956], %add3A_953 {strides = array<i32>} : memref<16x17xf32, #tpu.memory_space<vmem>>, vector<16xf32>,
      %mul3A_958 = arith.constant 16 : i32
      %mul3A_959 = arith.muli %scan3A_166, %mul3A_958 : i32
      %add3A_960 = arith.constant 13 : i32
      %add3A_961 = arith.addi %mul3A_959, %add3A_960 : i32
      %get3A_962 = arith.index_cast %add3A_961 : i32 to index
      %get3A_963 = arith.constant 0 : index
      %get3A_964 = tpu.vector_load %arg8[%get3A_962, %get3A_963] {strides = array<i32>} : memref<512x64xf32, #tpu.memory_space<vmem>>, vector<16xf32>,
      %get3A_965 = arith.index_cast %add3A_961 : i32 to index
      %get3A_966 = arith.constant 16 : index
      %get3A_967 = tpu.vector_load %arg8[%get3A_965, %get3A_966] {strides = array<i32>} : memref<512x64xf32, #tpu.memory_space<vmem>>, vector<16xf32>,
      %get3A_968 = arith.index_cast %add3A_961 : i32 to index
      %get3A_969 = arith.constant 32 : index
      %get3A_970 = tpu.vector_load %arg8[%get3A_968, %get3A_969] {strides = array<i32>} : memref<512x64xf32, #tpu.memory_space<vmem>>, vector<16xf32>,
      %get3A_971 = arith.index_cast %add3A_961 : i32 to index
      %get3A_972 = arith.constant 48 : index
      %get3A_973 = tpu.vector_load %arg8[%get3A_971, %get3A_972] {strides = array<i32>} : memref<512x64xf32, #tpu.memory_space<vmem>>, vector<16xf32>,
      %get3A_974 = arith.index_cast %add3A_961 : i32 to index
      %get3A_975 = arith.constant 0 : index
      %get3A_976 = tpu.vector_load %arg9[%get3A_974, %get3A_975] {strides = array<i32>} : memref<512x64xf32, #tpu.memory_space<vmem>>, vector<16xf32>,
      %get3A_977 = arith.index_cast %add3A_961 : i32 to index
      %get3A_978 = arith.constant 16 : index
      %get3A_979 = tpu.vector_load %arg9[%get3A_977, %get3A_978] {strides = array<i32>} : memref<512x64xf32, #tpu.memory_space<vmem>>, vector<16xf32>,
      %get3A_980 = arith.index_cast %add3A_961 : i32 to index
      %get3A_981 = arith.constant 32 : index
      %get3A_982 = tpu.vector_load %arg9[%get3A_980, %get3A_981] {strides = array<i32>} : memref<512x64xf32, #tpu.memory_space<vmem>>, vector<16xf32>,
      %get3A_983 = arith.index_cast %add3A_961 : i32 to index
      %get3A_984 = arith.constant 48 : index
      %get3A_985 = tpu.vector_load %arg9[%get3A_983, %get3A_984] {strides = array<i32>} : memref<512x64xf32, #tpu.memory_space<vmem>>, vector<16xf32>,
      %mul3A_986 = arith.mulf %get3A_964, %get3A_976 : vector<16xf32>
      %mul3A_987 = arith.mulf %get3A_967, %get3A_979 : vector<16xf32>
      %add3A_988 = arith.addf %mul3A_986, %mul3A_987 : vector<16xf32>
      %mul3A_989 = arith.mulf %get3A_970, %get3A_982 : vector<16xf32>
      %add3A_990 = arith.addf %add3A_988, %mul3A_989 : vector<16xf32>
      %mul3A_991 = arith.mulf %get3A_973, %get3A_985 : vector<16xf32>
      %add3A_992 = arith.addf %add3A_990, %mul3A_991 : vector<16xf32>
      %swap3A_993 = arith.constant 13 : i32
      %swap3A_994 = arith.index_cast %swap3A_993 : i32 to index
      %swap3A_995 = arith.constant 0 : index
      %swap3A_996 = tpu.vector_load %arg10[%swap3A_994, %swap3A_995] {strides = array<i32>} : memref<16x17xf32, #tpu.memory_space<vmem>>, vector<16xf32>,
      tpu.vector_store %arg10[%swap3A_994, %swap3A_995], %add3A_992 {strides = array<i32>} : memref<16x17xf32, #tpu.memory_space<vmem>>, vector<16xf32>,
      %mul3A_997 = arith.mulf %get3A_964, %get3A_964 : vector<16xf32>
      %mul3A_998 = arith.mulf %get3A_967, %get3A_967 : vector<16xf32>
      %add3A_999 = arith.addf %mul3A_997, %mul3A_998 : vector<16xf32>
      %mul3A_1000 = arith.mulf %get3A_970, %get3A_970 : vector<16xf32>
      %add3A_1001 = arith.addf %add3A_999, %mul3A_1000 : vector<16xf32>
      %mul3A_1002 = arith.mulf %get3A_973, %get3A_973 : vector<16xf32>
      %add3A_1003 = arith.addf %add3A_1001, %mul3A_1002 : vector<16xf32>
      %swap3A_1004 = arith.constant 13 : i32
      %swap3A_1005 = arith.index_cast %swap3A_1004 : i32 to index
      %swap3A_1006 = arith.constant 0 : index
      %swap3A_1007 = tpu.vector_load %arg11[%swap3A_1005, %swap3A_1006] {strides = array<i32>} : memref<16x17xf32, #tpu.memory_space<vmem>>, vector<16xf32>,
      tpu.vector_store %arg11[%swap3A_1005, %swap3A_1006], %add3A_1003 {strides = array<i32>} : memref<16x17xf32, #tpu.memory_space<vmem>>, vector<16xf32>,
      %mul3A_1008 = arith.mulf %get3A_976, %get3A_976 : vector<16xf32>
      %mul3A_1009 = arith.mulf %get3A_979, %get3A_979 : vector<16xf32>
      %add3A_1010 = arith.addf %mul3A_1008, %mul3A_1009 : vector<16xf32>
      %mul3A_1011 = arith.mulf %get3A_982, %get3A_982 : vector<16xf32>
      %add3A_1012 = arith.addf %add3A_1010, %mul3A_1011 : vector<16xf32>
      %mul3A_1013 = arith.mulf %get3A_985, %get3A_985 : vector<16xf32>
      %add3A_1014 = arith.addf %add3A_1012, %mul3A_1013 : vector<16xf32>
      %swap3A_1015 = arith.constant 13 : i32
      %swap3A_1016 = arith.index_cast %swap3A_1015 : i32 to index
      %swap3A_1017 = arith.constant 0 : index
      %swap3A_1018 = tpu.vector_load %arg12[%swap3A_1016, %swap3A_1017] {strides = array<i32>} : memref<16x17xf32, #tpu.memory_space<vmem>>, vector<16xf32>,
      tpu.vector_store %arg12[%swap3A_1016, %swap3A_1017], %add3A_1014 {strides = array<i32>} : memref<16x17xf32, #tpu.memory_space<vmem>>, vector<16xf32>,
      %mul3A_1019 = arith.constant 16 : i32
      %mul3A_1020 = arith.muli %scan3A_166, %mul3A_1019 : i32
      %add3A_1021 = arith.constant 14 : i32
      %add3A_1022 = arith.addi %mul3A_1020, %add3A_1021 : i32
      %get3A_1023 = arith.index_cast %add3A_1022 : i32 to index
      %get3A_1024 = arith.constant 0 : index
      %get3A_1025 = tpu.vector_load %arg8[%get3A_1023, %get3A_1024] {strides = array<i32>} : memref<512x64xf32, #tpu.memory_space<vmem>>, vector<16xf32>,
      %get3A_1026 = arith.index_cast %add3A_1022 : i32 to index
      %get3A_1027 = arith.constant 16 : index
      %get3A_1028 = tpu.vector_load %arg8[%get3A_1026, %get3A_1027] {strides = array<i32>} : memref<512x64xf32, #tpu.memory_space<vmem>>, vector<16xf32>,
      %get3A_1029 = arith.index_cast %add3A_1022 : i32 to index
      %get3A_1030 = arith.constant 32 : index
      %get3A_1031 = tpu.vector_load %arg8[%get3A_1029, %get3A_1030] {strides = array<i32>} : memref<512x64xf32, #tpu.memory_space<vmem>>, vector<16xf32>,
      %get3A_1032 = arith.index_cast %add3A_1022 : i32 to index
      %get3A_1033 = arith.constant 48 : index
      %get3A_1034 = tpu.vector_load %arg8[%get3A_1032, %get3A_1033] {strides = array<i32>} : memref<512x64xf32, #tpu.memory_space<vmem>>, vector<16xf32>,
      %get3A_1035 = arith.index_cast %add3A_1022 : i32 to index
      %get3A_1036 = arith.constant 0 : index
      %get3A_1037 = tpu.vector_load %arg9[%get3A_1035, %get3A_1036] {strides = array<i32>} : memref<512x64xf32, #tpu.memory_space<vmem>>, vector<16xf32>,
      %get3A_1038 = arith.index_cast %add3A_1022 : i32 to index
      %get3A_1039 = arith.constant 16 : index
      %get3A_1040 = tpu.vector_load %arg9[%get3A_1038, %get3A_1039] {strides = array<i32>} : memref<512x64xf32, #tpu.memory_space<vmem>>, vector<16xf32>,
      %get3A_1041 = arith.index_cast %add3A_1022 : i32 to index
      %get3A_1042 = arith.constant 32 : index
      %get3A_1043 = tpu.vector_load %arg9[%get3A_1041, %get3A_1042] {strides = array<i32>} : memref<512x64xf32, #tpu.memory_space<vmem>>, vector<16xf32>,
      %get3A_1044 = arith.index_cast %add3A_1022 : i32 to index
      %get3A_1045 = arith.constant 48 : index
      %get3A_1046 = tpu.vector_load %arg9[%get3A_1044, %get3A_1045] {strides = array<i32>} : memref<512x64xf32, #tpu.memory_space<vmem>>, vector<16xf32>,
      %mul3A_1047 = arith.mulf %get3A_1025, %get3A_1037 : vector<16xf32>
      %mul3A_1048 = arith.mulf %get3A_1028, %get3A_1040 : vector<16xf32>
      %add3A_1049 = arith.addf %mul3A_1047, %mul3A_1048 : vector<16xf32>
      %mul3A_1050 = arith.mulf %get3A_1031, %get3A_1043 : vector<16xf32>
      %add3A_1051 = arith.addf %add3A_1049, %mul3A_1050 : vector<16xf32>
      %mul3A_1052 = arith.mulf %get3A_1034, %get3A_1046 : vector<16xf32>
      %add3A_1053 = arith.addf %add3A_1051, %mul3A_1052 : vector<16xf32>
      %swap3A_1054 = arith.constant 14 : i32
      %swap3A_1055 = arith.index_cast %swap3A_1054 : i32 to index
      %swap3A_1056 = arith.constant 0 : index
      %swap3A_1057 = tpu.vector_load %arg10[%swap3A_1055, %swap3A_1056] {strides = array<i32>} : memref<16x17xf32, #tpu.memory_space<vmem>>, vector<16xf32>,
      tpu.vector_store %arg10[%swap3A_1055, %swap3A_1056], %add3A_1053 {strides = array<i32>} : memref<16x17xf32, #tpu.memory_space<vmem>>, vector<16xf32>,
      %mul3A_1058 = arith.mulf %get3A_1025, %get3A_1025 : vector<16xf32>
      %mul3A_1059 = arith.mulf %get3A_1028, %get3A_1028 : vector<16xf32>
      %add3A_1060 = arith.addf %mul3A_1058, %mul3A_1059 : vector<16xf32>
      %mul3A_1061 = arith.mulf %get3A_1031, %get3A_1031 : vector<16xf32>
      %add3A_1062 = arith.addf %add3A_1060, %mul3A_1061 : vector<16xf32>
      %mul3A_1063 = arith.mulf %get3A_1034, %get3A_1034 : vector<16xf32>
      %add3A_1064 = arith.addf %add3A_1062, %mul3A_1063 : vector<16xf32>
      %swap3A_1065 = arith.constant 14 : i32
      %swap3A_1066 = arith.index_cast %swap3A_1065 : i32 to index
      %swap3A_1067 = arith.constant 0 : index
      %swap3A_1068 = tpu.vector_load %arg11[%swap3A_1066, %swap3A_1067] {strides = array<i32>} : memref<16x17xf32, #tpu.memory_space<vmem>>, vector<16xf32>,
      tpu.vector_store %arg11[%swap3A_1066, %swap3A_1067], %add3A_1064 {strides = array<i32>} : memref<16x17xf32, #tpu.memory_space<vmem>>, vector<16xf32>,
      %mul3A_1069 = arith.mulf %get3A_1037, %get3A_1037 : vector<16xf32>
      %mul3A_1070 = arith.mulf %get3A_1040, %get3A_1040 : vector<16xf32>
      %add3A_1071 = arith.addf %mul3A_1069, %mul3A_1070 : vector<16xf32>
      %mul3A_1072 = arith.mulf %get3A_1043, %get3A_1043 : vector<16xf32>
      %add3A_1073 = arith.addf %add3A_1071, %mul3A_1072 : vector<16xf32>
      %mul3A_1074 = arith.mulf %get3A_1046, %get3A_1046 : vector<16xf32>
      %add3A_1075 = arith.addf %add3A_1073, %mul3A_1074 : vector<16xf32>
      %swap3A_1076 = arith.constant 14 : i32
      %swap3A_1077 = arith.index_cast %swap3A_1076 : i32 to index
      %swap3A_1078 = arith.constant 0 : index
      %swap3A_1079 = tpu.vector_load %arg12[%swap3A_1077, %swap3A_1078] {strides = array<i32>} : memref<16x17xf32, #tpu.memory_space<vmem>>, vector<16xf32>,
      tpu.vector_store %arg12[%swap3A_1077, %swap3A_1078], %add3A_1075 {strides = array<i32>} : memref<16x17xf32, #tpu.memory_space<vmem>>, vector<16xf32>,
      %mul3A_1080 = arith.constant 16 : i32
      %mul3A_1081 = arith.muli %scan3A_166, %mul3A_1080 : i32
      %add3A_1082 = arith.constant 15 : i32
      %add3A_1083 = arith.addi %mul3A_1081, %add3A_1082 : i32
      %get3A_1084 = arith.index_cast %add3A_1083 : i32 to index
      %get3A_1085 = arith.constant 0 : index
      %get3A_1086 = tpu.vector_load %arg8[%get3A_1084, %get3A_1085] {strides = array<i32>} : memref<512x64xf32, #tpu.memory_space<vmem>>, vector<16xf32>,
      %get3A_1087 = arith.index_cast %add3A_1083 : i32 to index
      %get3A_1088 = arith.constant 16 : index
      %get3A_1089 = tpu.vector_load %arg8[%get3A_1087, %get3A_1088] {strides = array<i32>} : memref<512x64xf32, #tpu.memory_space<vmem>>, vector<16xf32>,
      %get3A_1090 = arith.index_cast %add3A_1083 : i32 to index
      %get3A_1091 = arith.constant 32 : index
      %get3A_1092 = tpu.vector_load %arg8[%get3A_1090, %get3A_1091] {strides = array<i32>} : memref<512x64xf32, #tpu.memory_space<vmem>>, vector<16xf32>,
      %get3A_1093 = arith.index_cast %add3A_1083 : i32 to index
      %get3A_1094 = arith.constant 48 : index
      %get3A_1095 = tpu.vector_load %arg8[%get3A_1093, %get3A_1094] {strides = array<i32>} : memref<512x64xf32, #tpu.memory_space<vmem>>, vector<16xf32>,
      %get3A_1096 = arith.index_cast %add3A_1083 : i32 to index
      %get3A_1097 = arith.constant 0 : index
      %get3A_1098 = tpu.vector_load %arg9[%get3A_1096, %get3A_1097] {strides = array<i32>} : memref<512x64xf32, #tpu.memory_space<vmem>>, vector<16xf32>,
      %get3A_1099 = arith.index_cast %add3A_1083 : i32 to index
      %get3A_1100 = arith.constant 16 : index
      %get3A_1101 = tpu.vector_load %arg9[%get3A_1099, %get3A_1100] {strides = array<i32>} : memref<512x64xf32, #tpu.memory_space<vmem>>, vector<16xf32>,
      %get3A_1102 = arith.index_cast %add3A_1083 : i32 to index
      %get3A_1103 = arith.constant 32 : index
      %get3A_1104 = tpu.vector_load %arg9[%get3A_1102, %get3A_1103] {strides = array<i32>} : memref<512x64xf32, #tpu.memory_space<vmem>>, vector<16xf32>,
      %get3A_1105 = arith.index_cast %add3A_1083 : i32 to index
      %get3A_1106 = arith.constant 48 : index
      %get3A_1107 = tpu.vector_load %arg9[%get3A_1105, %get3A_1106] {strides = array<i32>} : memref<512x64xf32, #tpu.memory_space<vmem>>, vector<16xf32>,
      %mul3A_1108 = arith.mulf %get3A_1086, %get3A_1098 : vector<16xf32>
      %mul3A_1109 = arith.mulf %get3A_1089, %get3A_1101 : vector<16xf32>
      %add3A_1110 = arith.addf %mul3A_1108, %mul3A_1109 : vector<16xf32>
      %mul3A_1111 = arith.mulf %get3A_1092, %get3A_1104 : vector<16xf32>
      %add3A_1112 = arith.addf %add3A_1110, %mul3A_1111 : vector<16xf32>
      %mul3A_1113 = arith.mulf %get3A_1095, %get3A_1107 : vector<16xf32>
      %add3A_1114 = arith.addf %add3A_1112, %mul3A_1113 : vector<16xf32>
      %swap3A_1115 = arith.constant 15 : i32
      %swap3A_1116 = arith.index_cast %swap3A_1115 : i32 to index
      %swap3A_1117 = arith.constant 0 : index
      %swap3A_1118 = tpu.vector_load %arg10[%swap3A_1116, %swap3A_1117] {strides = array<i32>} : memref<16x17xf32, #tpu.memory_space<vmem>>, vector<16xf32>,
      tpu.vector_store %arg10[%swap3A_1116, %swap3A_1117], %add3A_1114 {strides = array<i32>} : memref<16x17xf32, #tpu.memory_space<vmem>>, vector<16xf32>,
      %mul3A_1119 = arith.mulf %get3A_1086, %get3A_1086 : vector<16xf32>
      %mul3A_1120 = arith.mulf %get3A_1089, %get3A_1089 : vector<16xf32>
      %add3A_1121 = arith.addf %mul3A_1119, %mul3A_1120 : vector<16xf32>
      %mul3A_1122 = arith.mulf %get3A_1092, %get3A_1092 : vector<16xf32>
      %add3A_1123 = arith.addf %add3A_1121, %mul3A_1122 : vector<16xf32>
      %mul3A_1124 = arith.mulf %get3A_1095, %get3A_1095 : vector<16xf32>
      %add3A_1125 = arith.addf %add3A_1123, %mul3A_1124 : vector<16xf32>
      %swap3A_1126 = arith.constant 15 : i32
      %swap3A_1127 = arith.index_cast %swap3A_1126 : i32 to index
      %swap3A_1128 = arith.constant 0 : index
      %swap3A_1129 = tpu.vector_load %arg11[%swap3A_1127, %swap3A_1128] {strides = array<i32>} : memref<16x17xf32, #tpu.memory_space<vmem>>, vector<16xf32>,
      tpu.vector_store %arg11[%swap3A_1127, %swap3A_1128], %add3A_1125 {strides = array<i32>} : memref<16x17xf32, #tpu.memory_space<vmem>>, vector<16xf32>,
      %mul3A_1130 = arith.mulf %get3A_1098, %get3A_1098 : vector<16xf32>
      %mul3A_1131 = arith.mulf %get3A_1101, %get3A_1101 : vector<16xf32>
      %add3A_1132 = arith.addf %mul3A_1130, %mul3A_1131 : vector<16xf32>
      %mul3A_1133 = arith.mulf %get3A_1104, %get3A_1104 : vector<16xf32>
      %add3A_1134 = arith.addf %add3A_1132, %mul3A_1133 : vector<16xf32>
      %mul3A_1135 = arith.mulf %get3A_1107, %get3A_1107 : vector<16xf32>
      %add3A_1136 = arith.addf %add3A_1134, %mul3A_1135 : vector<16xf32>
      %swap3A_1137 = arith.constant 15 : i32
      %swap3A_1138 = arith.index_cast %swap3A_1137 : i32 to index
      %swap3A_1139 = arith.constant 0 : index
      %swap3A_1140 = tpu.vector_load %arg12[%swap3A_1138, %swap3A_1139] {strides = array<i32>} : memref<16x17xf32, #tpu.memory_space<vmem>>, vector<16xf32>,
      tpu.vector_store %arg12[%swap3A_1138, %swap3A_1139], %add3A_1136 {strides = array<i32>} : memref<16x17xf32, #tpu.memory_space<vmem>>, vector<16xf32>,
      %broadcast_in_dim3A = arith.constant 0 : i32
      %broadcast_in_dim3A_1141 = vector.broadcast %broadcast_in_dim3A : i32 to vector<16xi32>
      %gather3A = tpu.vector_load_idx %arg10[%iota3A, %broadcast_in_dim3A_1141] : memref<16x17xf32, #tpu.memory_space<vmem>>[vector<16xi32>, vector<16xi32>], vector<16xf32>,
      %broadcast_in_dim3A_1142 = arith.constant 0 : i32
      %broadcast_in_dim3A_1143 = vector.broadcast %broadcast_in_dim3A_1142 : i32 to vector<16xi32>
      %gather3A_1144 = tpu.vector_load_idx %arg11[%iota3A, %broadcast_in_dim3A_1143] : memref<16x17xf32, #tpu.memory_space<vmem>>[vector<16xi32>, vector<16xi32>], vector<16xf32>,
      %broadcast_in_dim3A_1145 = arith.constant 0 : i32
      %broadcast_in_dim3A_1146 = vector.broadcast %broadcast_in_dim3A_1145 : i32 to vector<16xi32>
      %gather3A_1147 = tpu.vector_load_idx %arg12[%iota3A, %broadcast_in_dim3A_1146] : memref<16x17xf32, #tpu.memory_space<vmem>>[vector<16xi32>, vector<16xi32>], vector<16xf32>,
      %broadcast_in_dim3A_1148 = arith.constant 1 : i32
      %broadcast_in_dim3A_1149 = vector.broadcast %broadcast_in_dim3A_1148 : i32 to vector<16xi32>
      %gather3A_1150 = tpu.vector_load_idx %arg10[%iota3A, %broadcast_in_dim3A_1149] : memref<16x17xf32, #tpu.memory_space<vmem>>[vector<16xi32>, vector<16xi32>], vector<16xf32>,
      %add3A_1151 = arith.addf %gather3A, %gather3A_1150 : vector<16xf32>
      %gather3A_1152 = tpu.vector_load_idx %arg11[%iota3A, %broadcast_in_dim3A_1149] : memref<16x17xf32, #tpu.memory_space<vmem>>[vector<16xi32>, vector<16xi32>], vector<16xf32>,
      %add3A_1153 = arith.addf %gather3A_1144, %gather3A_1152 : vector<16xf32>
      %gather3A_1154 = tpu.vector_load_idx %arg12[%iota3A, %broadcast_in_dim3A_1149] : memref<16x17xf32, #tpu.memory_space<vmem>>[vector<16xi32>, vector<16xi32>], vector<16xf32>,
      %add3A_1155 = arith.addf %gather3A_1147, %gather3A_1154 : vector<16xf32>
      %broadcast_in_dim3A_1156 = arith.constant 2 : i32
      %broadcast_in_dim3A_1157 = vector.broadcast %broadcast_in_dim3A_1156 : i32 to vector<16xi32>
      %gather3A_1158 = tpu.vector_load_idx %arg10[%iota3A, %broadcast_in_dim3A_1157] : memref<16x17xf32, #tpu.memory_space<vmem>>[vector<16xi32>, vector<16xi32>], vector<16xf32>,
      %add3A_1159 = arith.addf %add3A_1151, %gather3A_1158 : vector<16xf32>
      %gather3A_1160 = tpu.vector_load_idx %arg11[%iota3A, %broadcast_in_dim3A_1157] : memref<16x17xf32, #tpu.memory_space<vmem>>[vector<16xi32>, vector<16xi32>], vector<16xf32>,
      %add3A_1161 = arith.addf %add3A_1153, %gather3A_1160 : vector<16xf32>
      %gather3A_1162 = tpu.vector_load_idx %arg12[%iota3A, %broadcast_in_dim3A_1157] : memref<16x17xf32, #tpu.memory_space<vmem>>[vector<16xi32>, vector<16xi32>], vector<16xf32>,
      %add3A_1163 = arith.addf %add3A_1155, %gather3A_1162 : vector<16xf32>
      %broadcast_in_dim3A_1164 = arith.constant 3 : i32
      %broadcast_in_dim3A_1165 = vector.broadcast %broadcast_in_dim3A_1164 : i32 to vector<16xi32>
      %gather3A_1166 = tpu.vector_load_idx %arg10[%iota3A, %broadcast_in_dim3A_1165] : memref<16x17xf32, #tpu.memory_space<vmem>>[vector<16xi32>, vector<16xi32>], vector<16xf32>,
      %add3A_1167 = arith.addf %add3A_1159, %gather3A_1166 : vector<16xf32>
      %gather3A_1168 = tpu.vector_load_idx %arg11[%iota3A, %broadcast_in_dim3A_1165] : memref<16x17xf32, #tpu.memory_space<vmem>>[vector<16xi32>, vector<16xi32>], vector<16xf32>,
      %add3A_1169 = arith.addf %add3A_1161, %gather3A_1168 : vector<16xf32>
      %gather3A_1170 = tpu.vector_load_idx %arg12[%iota3A, %broadcast_in_dim3A_1165] : memref<16x17xf32, #tpu.memory_space<vmem>>[vector<16xi32>, vector<16xi32>], vector<16xf32>,
      %add3A_1171 = arith.addf %add3A_1163, %gather3A_1170 : vector<16xf32>
      %broadcast_in_dim3A_1172 = arith.constant 4 : i32
      %broadcast_in_dim3A_1173 = vector.broadcast %broadcast_in_dim3A_1172 : i32 to vector<16xi32>
      %gather3A_1174 = tpu.vector_load_idx %arg10[%iota3A, %broadcast_in_dim3A_1173] : memref<16x17xf32, #tpu.memory_space<vmem>>[vector<16xi32>, vector<16xi32>], vector<16xf32>,
      %add3A_1175 = arith.addf %add3A_1167, %gather3A_1174 : vector<16xf32>
      %gather3A_1176 = tpu.vector_load_idx %arg11[%iota3A, %broadcast_in_dim3A_1173] : memref<16x17xf32, #tpu.memory_space<vmem>>[vector<16xi32>, vector<16xi32>], vector<16xf32>,
      %add3A_1177 = arith.addf %add3A_1169, %gather3A_1176 : vector<16xf32>
      %gather3A_1178 = tpu.vector_load_idx %arg12[%iota3A, %broadcast_in_dim3A_1173] : memref<16x17xf32, #tpu.memory_space<vmem>>[vector<16xi32>, vector<16xi32>], vector<16xf32>,
      %add3A_1179 = arith.addf %add3A_1171, %gather3A_1178 : vector<16xf32>
      %broadcast_in_dim3A_1180 = arith.constant 5 : i32
      %broadcast_in_dim3A_1181 = vector.broadcast %broadcast_in_dim3A_1180 : i32 to vector<16xi32>
      %gather3A_1182 = tpu.vector_load_idx %arg10[%iota3A, %broadcast_in_dim3A_1181] : memref<16x17xf32, #tpu.memory_space<vmem>>[vector<16xi32>, vector<16xi32>], vector<16xf32>,
      %add3A_1183 = arith.addf %add3A_1175, %gather3A_1182 : vector<16xf32>
      %gather3A_1184 = tpu.vector_load_idx %arg11[%iota3A, %broadcast_in_dim3A_1181] : memref<16x17xf32, #tpu.memory_space<vmem>>[vector<16xi32>, vector<16xi32>], vector<16xf32>,
      %add3A_1185 = arith.addf %add3A_1177, %gather3A_1184 : vector<16xf32>
      %gather3A_1186 = tpu.vector_load_idx %arg12[%iota3A, %broadcast_in_dim3A_1181] : memref<16x17xf32, #tpu.memory_space<vmem>>[vector<16xi32>, vector<16xi32>], vector<16xf32>,
      %add3A_1187 = arith.addf %add3A_1179, %gather3A_1186 : vector<16xf32>
      %broadcast_in_dim3A_1188 = arith.constant 6 : i32
      %broadcast_in_dim3A_1189 = vector.broadcast %broadcast_in_dim3A_1188 : i32 to vector<16xi32>
      %gather3A_1190 = tpu.vector_load_idx %arg10[%iota3A, %broadcast_in_dim3A_1189] : memref<16x17xf32, #tpu.memory_space<vmem>>[vector<16xi32>, vector<16xi32>], vector<16xf32>,
      %add3A_1191 = arith.addf %add3A_1183, %gather3A_1190 : vector<16xf32>
      %gather3A_1192 = tpu.vector_load_idx %arg11[%iota3A, %broadcast_in_dim3A_1189] : memref<16x17xf32, #tpu.memory_space<vmem>>[vector<16xi32>, vector<16xi32>], vector<16xf32>,
      %add3A_1193 = arith.addf %add3A_1185, %gather3A_1192 : vector<16xf32>
      %gather3A_1194 = tpu.vector_load_idx %arg12[%iota3A, %broadcast_in_dim3A_1189] : memref<16x17xf32, #tpu.memory_space<vmem>>[vector<16xi32>, vector<16xi32>], vector<16xf32>,
      %add3A_1195 = arith.addf %add3A_1187, %gather3A_1194 : vector<16xf32>
      %broadcast_in_dim3A_1196 = arith.constant 7 : i32
      %broadcast_in_dim3A_1197 = vector.broadcast %broadcast_in_dim3A_1196 : i32 to vector<16xi32>
      %gather3A_1198 = tpu.vector_load_idx %arg10[%iota3A, %broadcast_in_dim3A_1197] : memref<16x17xf32, #tpu.memory_space<vmem>>[vector<16xi32>, vector<16xi32>], vector<16xf32>,
      %add3A_1199 = arith.addf %add3A_1191, %gather3A_1198 : vector<16xf32>
      %gather3A_1200 = tpu.vector_load_idx %arg11[%iota3A, %broadcast_in_dim3A_1197] : memref<16x17xf32, #tpu.memory_space<vmem>>[vector<16xi32>, vector<16xi32>], vector<16xf32>,
      %add3A_1201 = arith.addf %add3A_1193, %gather3A_1200 : vector<16xf32>
      %gather3A_1202 = tpu.vector_load_idx %arg12[%iota3A, %broadcast_in_dim3A_1197] : memref<16x17xf32, #tpu.memory_space<vmem>>[vector<16xi32>, vector<16xi32>], vector<16xf32>,
      %add3A_1203 = arith.addf %add3A_1195, %gather3A_1202 : vector<16xf32>
      %broadcast_in_dim3A_1204 = arith.constant 8 : i32
      %broadcast_in_dim3A_1205 = vector.broadcast %broadcast_in_dim3A_1204 : i32 to vector<16xi32>
      %gather3A_1206 = tpu.vector_load_idx %arg10[%iota3A, %broadcast_in_dim3A_1205] : memref<16x17xf32, #tpu.memory_space<vmem>>[vector<16xi32>, vector<16xi32>], vector<16xf32>,
      %add3A_1207 = arith.addf %add3A_1199, %gather3A_1206 : vector<16xf32>
      %gather3A_1208 = tpu.vector_load_idx %arg11[%iota3A, %broadcast_in_dim3A_1205] : memref<16x17xf32, #tpu.memory_space<vmem>>[vector<16xi32>, vector<16xi32>], vector<16xf32>,
      %add3A_1209 = arith.addf %add3A_1201, %gather3A_1208 : vector<16xf32>
      %gather3A_1210 = tpu.vector_load_idx %arg12[%iota3A, %broadcast_in_dim3A_1205] : memref<16x17xf32, #tpu.memory_space<vmem>>[vector<16xi32>, vector<16xi32>], vector<16xf32>,
      %add3A_1211 = arith.addf %add3A_1203, %gather3A_1210 : vector<16xf32>
      %broadcast_in_dim3A_1212 = arith.constant 9 : i32
      %broadcast_in_dim3A_1213 = vector.broadcast %broadcast_in_dim3A_1212 : i32 to vector<16xi32>
      %gather3A_1214 = tpu.vector_load_idx %arg10[%iota3A, %broadcast_in_dim3A_1213] : memref<16x17xf32, #tpu.memory_space<vmem>>[vector<16xi32>, vector<16xi32>], vector<16xf32>,
      %add3A_1215 = arith.addf %add3A_1207, %gather3A_1214 : vector<16xf32>
      %gather3A_1216 = tpu.vector_load_idx %arg11[%iota3A, %broadcast_in_dim3A_1213] : memref<16x17xf32, #tpu.memory_space<vmem>>[vector<16xi32>, vector<16xi32>], vector<16xf32>,
      %add3A_1217 = arith.addf %add3A_1209, %gather3A_1216 : vector<16xf32>
      %gather3A_1218 = tpu.vector_load_idx %arg12[%iota3A, %broadcast_in_dim3A_1213] : memref<16x17xf32, #tpu.memory_space<vmem>>[vector<16xi32>, vector<16xi32>], vector<16xf32>,
      %add3A_1219 = arith.addf %add3A_1211, %gather3A_1218 : vector<16xf32>
      %broadcast_in_dim3A_1220 = arith.constant 10 : i32
      %broadcast_in_dim3A_1221 = vector.broadcast %broadcast_in_dim3A_1220 : i32 to vector<16xi32>
      %gather3A_1222 = tpu.vector_load_idx %arg10[%iota3A, %broadcast_in_dim3A_1221] : memref<16x17xf32, #tpu.memory_space<vmem>>[vector<16xi32>, vector<16xi32>], vector<16xf32>,
      %add3A_1223 = arith.addf %add3A_1215, %gather3A_1222 : vector<16xf32>
      %gather3A_1224 = tpu.vector_load_idx %arg11[%iota3A, %broadcast_in_dim3A_1221] : memref<16x17xf32, #tpu.memory_space<vmem>>[vector<16xi32>, vector<16xi32>], vector<16xf32>,
      %add3A_1225 = arith.addf %add3A_1217, %gather3A_1224 : vector<16xf32>
      %gather3A_1226 = tpu.vector_load_idx %arg12[%iota3A, %broadcast_in_dim3A_1221] : memref<16x17xf32, #tpu.memory_space<vmem>>[vector<16xi32>, vector<16xi32>], vector<16xf32>,
      %add3A_1227 = arith.addf %add3A_1219, %gather3A_1226 : vector<16xf32>
      %broadcast_in_dim3A_1228 = arith.constant 11 : i32
      %broadcast_in_dim3A_1229 = vector.broadcast %broadcast_in_dim3A_1228 : i32 to vector<16xi32>
      %gather3A_1230 = tpu.vector_load_idx %arg10[%iota3A, %broadcast_in_dim3A_1229] : memref<16x17xf32, #tpu.memory_space<vmem>>[vector<16xi32>, vector<16xi32>], vector<16xf32>,
      %add3A_1231 = arith.addf %add3A_1223, %gather3A_1230 : vector<16xf32>
      %gather3A_1232 = tpu.vector_load_idx %arg11[%iota3A, %broadcast_in_dim3A_1229] : memref<16x17xf32, #tpu.memory_space<vmem>>[vector<16xi32>, vector<16xi32>], vector<16xf32>,
      %add3A_1233 = arith.addf %add3A_1225, %gather3A_1232 : vector<16xf32>
      %gather3A_1234 = tpu.vector_load_idx %arg12[%iota3A, %broadcast_in_dim3A_1229] : memref<16x17xf32, #tpu.memory_space<vmem>>[vector<16xi32>, vector<16xi32>], vector<16xf32>,
      %add3A_1235 = arith.addf %add3A_1227, %gather3A_1234 : vector<16xf32>
      %broadcast_in_dim3A_1236 = arith.constant 12 : i32
      %broadcast_in_dim3A_1237 = vector.broadcast %broadcast_in_dim3A_1236 : i32 to vector<16xi32>
      %gather3A_1238 = tpu.vector_load_idx %arg10[%iota3A, %broadcast_in_dim3A_1237] : memref<16x17xf32, #tpu.memory_space<vmem>>[vector<16xi32>, vector<16xi32>], vector<16xf32>,
      %add3A_1239 = arith.addf %add3A_1231, %gather3A_1238 : vector<16xf32>
      %gather3A_1240 = tpu.vector_load_idx %arg11[%iota3A, %broadcast_in_dim3A_1237] : memref<16x17xf32, #tpu.memory_space<vmem>>[vector<16xi32>, vector<16xi32>], vector<16xf32>,
      %add3A_1241 = arith.addf %add3A_1233, %gather3A_1240 : vector<16xf32>
      %gather3A_1242 = tpu.vector_load_idx %arg12[%iota3A, %broadcast_in_dim3A_1237] : memref<16x17xf32, #tpu.memory_space<vmem>>[vector<16xi32>, vector<16xi32>], vector<16xf32>,
      %add3A_1243 = arith.addf %add3A_1235, %gather3A_1242 : vector<16xf32>
      %broadcast_in_dim3A_1244 = arith.constant 13 : i32
      %broadcast_in_dim3A_1245 = vector.broadcast %broadcast_in_dim3A_1244 : i32 to vector<16xi32>
      %gather3A_1246 = tpu.vector_load_idx %arg10[%iota3A, %broadcast_in_dim3A_1245] : memref<16x17xf32, #tpu.memory_space<vmem>>[vector<16xi32>, vector<16xi32>], vector<16xf32>,
      %add3A_1247 = arith.addf %add3A_1239, %gather3A_1246 : vector<16xf32>
      %gather3A_1248 = tpu.vector_load_idx %arg11[%iota3A, %broadcast_in_dim3A_1245] : memref<16x17xf32, #tpu.memory_space<vmem>>[vector<16xi32>, vector<16xi32>], vector<16xf32>,
      %add3A_1249 = arith.addf %add3A_1241, %gather3A_1248 : vector<16xf32>
      %gather3A_1250 = tpu.vector_load_idx %arg12[%iota3A, %broadcast_in_dim3A_1245] : memref<16x17xf32, #tpu.memory_space<vmem>>[vector<16xi32>, vector<16xi32>], vector<16xf32>,
      %add3A_1251 = arith.addf %add3A_1243, %gather3A_1250 : vector<16xf32>
      %broadcast_in_dim3A_1252 = arith.constant 14 : i32
      %broadcast_in_dim3A_1253 = vector.broadcast %broadcast_in_dim3A_1252 : i32 to vector<16xi32>
      %gather3A_1254 = tpu.vector_load_idx %arg10[%iota3A, %broadcast_in_dim3A_1253] : memref<16x17xf32, #tpu.memory_space<vmem>>[vector<16xi32>, vector<16xi32>], vector<16xf32>,
      %add3A_1255 = arith.addf %add3A_1247, %gather3A_1254 : vector<16xf32>
      %gather3A_1256 = tpu.vector_load_idx %arg11[%iota3A, %broadcast_in_dim3A_1253] : memref<16x17xf32, #tpu.memory_space<vmem>>[vector<16xi32>, vector<16xi32>], vector<16xf32>,
      %add3A_1257 = arith.addf %add3A_1249, %gather3A_1256 : vector<16xf32>
      %gather3A_1258 = tpu.vector_load_idx %arg12[%iota3A, %broadcast_in_dim3A_1253] : memref<16x17xf32, #tpu.memory_space<vmem>>[vector<16xi32>, vector<16xi32>], vector<16xf32>,
      %add3A_1259 = arith.addf %add3A_1251, %gather3A_1258 : vector<16xf32>
      %broadcast_in_dim3A_1260 = arith.constant 15 : i32
      %broadcast_in_dim3A_1261 = vector.broadcast %broadcast_in_dim3A_1260 : i32 to vector<16xi32>
      %gather3A_1262 = tpu.vector_load_idx %arg10[%iota3A, %broadcast_in_dim3A_1261] : memref<16x17xf32, #tpu.memory_space<vmem>>[vector<16xi32>, vector<16xi32>], vector<16xf32>,
      %add3A_1263 = arith.addf %add3A_1255, %gather3A_1262 : vector<16xf32>
      %gather3A_1264 = tpu.vector_load_idx %arg11[%iota3A, %broadcast_in_dim3A_1261] : memref<16x17xf32, #tpu.memory_space<vmem>>[vector<16xi32>, vector<16xi32>], vector<16xf32>,
      %add3A_1265 = arith.addf %add3A_1257, %gather3A_1264 : vector<16xf32>
      %gather3A_1266 = tpu.vector_load_idx %arg12[%iota3A, %broadcast_in_dim3A_1261] : memref<16x17xf32, #tpu.memory_space<vmem>>[vector<16xi32>, vector<16xi32>], vector<16xf32>,
      %add3A_1267 = arith.addf %add3A_1259, %gather3A_1266 : vector<16xf32>
      %max3A = arith.constant 1.000000e-16 : f32
      %max3A_1268 = vector.broadcast %max3A : f32 to vector<16xf32>
      %max3A_1269 = arith.maximumf %add3A_1265, %max3A_1268 : vector<16xf32>
      %max3A_1270 = arith.constant 1.000000e-16 : f32
      %max3A_1271 = vector.broadcast %max3A_1270 : f32 to vector<16xf32>
      %max3A_1272 = arith.maximumf %add3A_1267, %max3A_1271 : vector<16xf32>
      %bitcast3A = vector.bitcast %max3A_1269 : vector<16xf32> to vector<16xi32>
      %shift_right_arithmetic3A = arith.constant 1 : i32
      %shift_right_arithmetic3A_1273 = vector.broadcast %shift_right_arithmetic3A : i32 to vector<16xi32>
      %shift_right_arithmetic3A_1274 = arith.shrsi %bitcast3A, %shift_right_arithmetic3A_1273 : vector<16xi32>
      %sub3A = arith.constant 1597463007 : i32
      %sub3A_1275 = vector.broadcast %sub3A : i32 to vector<16xi32>
      %sub3A_1276 = arith.subi %sub3A_1275, %shift_right_arithmetic3A_1274 : vector<16xi32>
      %bitcast3A_1277 = vector.bitcast %sub3A_1276 : vector<16xi32> to vector<16xf32>
      %mul3A_1278 = arith.constant 5.000000e-01 : f32
      %mul3A_1279 = vector.broadcast %mul3A_1278 : f32 to vector<16xf32>
      %mul3A_1280 = arith.mulf %mul3A_1279, %max3A_1269 : vector<16xf32>
      %mul3A_1281 = arith.mulf %mul3A_1280, %bitcast3A_1277 : vector<16xf32>
      %mul3A_1282 = arith.mulf %mul3A_1281, %bitcast3A_1277 : vector<16xf32>
      %sub3A_1283 = arith.constant 1.500000e+00 : f32
      %sub3A_1284 = vector.broadcast %sub3A_1283 : f32 to vector<16xf32>
      %sub3A_1285 = arith.subf %sub3A_1284, %mul3A_1282 : vector<16xf32>
      %mul3A_1286 = arith.mulf %bitcast3A_1277, %sub3A_1285 : vector<16xf32>
      %mul3A_1287 = arith.constant 5.000000e-01 : f32
      %mul3A_1288 = vector.broadcast %mul3A_1287 : f32 to vector<16xf32>
      %mul3A_1289 = arith.mulf %mul3A_1288, %max3A_1269 : vector<16xf32>
      %mul3A_1290 = arith.mulf %mul3A_1289, %mul3A_1286 : vector<16xf32>
      %mul3A_1291 = arith.mulf %mul3A_1290, %mul3A_1286 : vector<16xf32>
      %sub3A_1292 = arith.constant 1.500000e+00 : f32
      %sub3A_1293 = vector.broadcast %sub3A_1292 : f32 to vector<16xf32>
      %sub3A_1294 = arith.subf %sub3A_1293, %mul3A_1291 : vector<16xf32>
      %mul3A_1295 = arith.mulf %mul3A_1286, %sub3A_1294 : vector<16xf32>
      %mul3A_1296 = arith.constant 5.000000e-01 : f32
      %mul3A_1297 = vector.broadcast %mul3A_1296 : f32 to vector<16xf32>
      %mul3A_1298 = arith.mulf %mul3A_1297, %max3A_1269 : vector<16xf32>
      %mul3A_1299 = arith.mulf %mul3A_1298, %mul3A_1295 : vector<16xf32>
      %mul3A_1300 = arith.mulf %mul3A_1299, %mul3A_1295 : vector<16xf32>
      %sub3A_1301 = arith.constant 1.500000e+00 : f32
      %sub3A_1302 = vector.broadcast %sub3A_1301 : f32 to vector<16xf32>
      %sub3A_1303 = arith.subf %sub3A_1302, %mul3A_1300 : vector<16xf32>
      %mul3A_1304 = arith.mulf %mul3A_1295, %sub3A_1303 : vector<16xf32>
      %mul3A_1305 = arith.mulf %add3A_1263, %mul3A_1304 : vector<16xf32>
      %bitcast3A_1306 = vector.bitcast %max3A_1272 : vector<16xf32> to vector<16xi32>
      %shift_right_arithmetic3A_1307 = arith.constant 1 : i32
      %shift_right_arithmetic3A_1308 = vector.broadcast %shift_right_arithmetic3A_1307 : i32 to vector<16xi32>
      %shift_right_arithmetic3A_1309 = arith.shrsi %bitcast3A_1306, %shift_right_arithmetic3A_1308 : vector<16xi32>
      %sub3A_1310 = arith.constant 1597463007 : i32
      %sub3A_1311 = vector.broadcast %sub3A_1310 : i32 to vector<16xi32>
      %sub3A_1312 = arith.subi %sub3A_1311, %shift_right_arithmetic3A_1309 : vector<16xi32>
      %bitcast3A_1313 = vector.bitcast %sub3A_1312 : vector<16xi32> to vector<16xf32>
      %mul3A_1314 = arith.constant 5.000000e-01 : f32
      %mul3A_1315 = vector.broadcast %mul3A_1314 : f32 to vector<16xf32>
      %mul3A_1316 = arith.mulf %mul3A_1315, %max3A_1272 : vector<16xf32>
      %mul3A_1317 = arith.mulf %mul3A_1316, %bitcast3A_1313 : vector<16xf32>
      %mul3A_1318 = arith.mulf %mul3A_1317, %bitcast3A_1313 : vector<16xf32>
      %sub3A_1319 = arith.constant 1.500000e+00 : f32
      %sub3A_1320 = vector.broadcast %sub3A_1319 : f32 to vector<16xf32>
      %sub3A_1321 = arith.subf %sub3A_1320, %mul3A_1318 : vector<16xf32>
      %mul3A_1322 = arith.mulf %bitcast3A_1313, %sub3A_1321 : vector<16xf32>
      %mul3A_1323 = arith.constant 5.000000e-01 : f32
      %mul3A_1324 = vector.broadcast %mul3A_1323 : f32 to vector<16xf32>
      %mul3A_1325 = arith.mulf %mul3A_1324, %max3A_1272 : vector<16xf32>
      %mul3A_1326 = arith.mulf %mul3A_1325, %mul3A_1322 : vector<16xf32>
      %mul3A_1327 = arith.mulf %mul3A_1326, %mul3A_1322 : vector<16xf32>
      %sub3A_1328 = arith.constant 1.500000e+00 : f32
      %sub3A_1329 = vector.broadcast %sub3A_1328 : f32 to vector<16xf32>
      %sub3A_1330 = arith.subf %sub3A_1329, %mul3A_1327 : vector<16xf32>
      %mul3A_1331 = arith.mulf %mul3A_1322, %sub3A_1330 : vector<16xf32>
      %mul3A_1332 = arith.constant 5.000000e-01 : f32
      %mul3A_1333 = vector.broadcast %mul3A_1332 : f32 to vector<16xf32>
      %mul3A_1334 = arith.mulf %mul3A_1333, %max3A_1272 : vector<16xf32>
      %mul3A_1335 = arith.mulf %mul3A_1334, %mul3A_1331 : vector<16xf32>
      %mul3A_1336 = arith.mulf %mul3A_1335, %mul3A_1331 : vector<16xf32>
      %sub3A_1337 = arith.constant 1.500000e+00 : f32
      %sub3A_1338 = vector.broadcast %sub3A_1337 : f32 to vector<16xf32>
      %sub3A_1339 = arith.subf %sub3A_1338, %mul3A_1336 : vector<16xf32>
      %mul3A_1340 = arith.mulf %mul3A_1331, %sub3A_1339 : vector<16xf32>
      %mul3A_1341 = arith.mulf %mul3A_1305, %mul3A_1340 : vector<16xf32>
      %mul3A_1342 = arith.constant 16 : i32
      %mul3A_1343 = arith.muli %scan3A_166, %mul3A_1342 : i32
      %swap3A_1344 = arith.index_cast %mul3A_1343 : i32 to index
      %swap3A_1345 = tpu.vector_load %arg13[%swap3A_1344] {strides = array<i32>} : memref<512xf32, #tpu.memory_space<vmem>>, vector<16xf32>,
      tpu.vector_store %arg13[%swap3A_1344], %mul3A_1341 {strides = array<i32>} : memref<512xf32, #tpu.memory_space<vmem>>, vector<16xf32>,
    }
    %scan3A_165 = arith.constant 32 : i32
    "tpu.region"() ({
      %run_scoped3A = tpu.sem_alloc : memref<!tpu.dma_semaphore, #tpu.memory_space<semaphore_mem>>
      %dma_start3A_166 = tpu.memref_slice %arg5[%mul3A_2] : memref<16384xf32, #tpu.memory_space<hbm>> -> memref<512xf32, #tpu.memory_space<hbm>>
      %dma_start3A_167 = tpu.memref_slice %arg5[%mul3A_2] : memref<16384xf32, #tpu.memory_space<hbm>> -> memref<512xf32, #tpu.memory_space<hbm>>
      tpu.enqueue_dma source(%arg13 : memref<512xf32, #tpu.memory_space<vmem>>) target(%dma_start3A_167 : memref<512xf32, #tpu.memory_space<hbm>>) target_semaphore(%run_scoped3A : memref<!tpu.dma_semaphore, #tpu.memory_space<semaphore_mem>>)
      %dma_wait3A_168 = tpu.memref_slice %arg5[%mul3A_2] : memref<16384xf32, #tpu.memory_space<hbm>> -> memref<512xf32, #tpu.memory_space<hbm>>
      %dma_wait3A_169 = tpu.memref_slice %arg5[%mul3A_2] : memref<16384xf32, #tpu.memory_space<hbm>> -> memref<512xf32, #tpu.memory_space<hbm>>
      tpu.wait_dma2 semaphore(%run_scoped3A : memref<!tpu.dma_semaphore, #tpu.memory_space<semaphore_mem>>) src(%arg13 : memref<512xf32, #tpu.memory_space<vmem>>) dst(%dma_wait3A_169 : memref<512xf32, #tpu.memory_space<hbm>>)
      tpu.yield
    }) : () -> ()
    return
  }
}

</mosaic_0001>

<sc_bundles>
// kernel: kernel.3.cloned.1.call-start
scs
__scs_entry_jumppad:
0x0: {  	(pc) =	sbr.rel $0x88, $3  }
0x1: {  	(tag) =	ssettag $0x0;
	lr =	simm.s32 $0x1  }
0x2: {  	[smem:$0x3F9E] =	sst lr;
	_ =	strace $0xD0000000  }
0x3: {  	_ = 	snop  }
0x4: {  	_ = 	snop  }
0x5: {  	_ = 	snop  }
0x6: {  	_ = 	snop  }
0x7: {  	_ = 	snop  }
__scs_overlays_trampoline_lowered:
0x8: {  	[smem:$0x3FAD] =	sst s0  }
0x9: {  	[smem:$0x3FAE] =	sst s1  }
0xa: {  	[smem:$0x3FAF] =	sst s2  }
0xb: {  	[smem:$0x3FB0] =	sst s3  }
0xc: {  	[smem:$0x3FB1] =	sst s4  }
0xd: {  	[smem:$0x3FB2] =	sst s5  }
0xe: {  	[smem:$0x3FB3] =	sst s6  }
0xf: {  	[smem:$0x3FB4] =	sst s7  }
0x10: {  	[smem:$0x3FB5] =	sst s8  }
0x11: {  	[smem:$0x3FB6] =	sst s9;
	s0 =	simm.s32 @!p0 $0x0  }
0x12: {  	s1 =	sld [smem:$0x3F9C];
	s0 =	simm.s32 @p0 $0x1  }
0x13: {  	[smem:$0x3FB7] =	sst s0;
	s0 =	simm.s32 @!p1 $0x0  }
0x14: {  	s2 =	sld [smem:$0x3F9B];
	s0 =	simm.s32 @p1 $0x1  }
0x15: {  	[smem:$0x3FB8] =	sst s0;
	s0 =	simm.s32 @!p2 $0x0  }
0x16: {  	s3 =	sld [smem:$0x3FDB];
	s0 =	simm.s32 @p2 $0x1  }
0x17: {  	s4 =	simm.s32 $0x1BF5;
	[smem:$0x3FBA] =	sst s0  }
0x18: {  	s0 =	sld [smem:$0x3F9D];
	_ =	swait.ge [sflag:s4], $0x0  }
0x19: {  	s7 =	sld [smem:$0x3F9E]  }
0x1a: {  	s8 =	sadd.s32 $0xFFFFE003, lr  }
0x1b: {  	s9 =	sadd.s32 $0xFFFFFEF7, lr;
	s5 =	simm.s32 $0xFFFFFFFF;
	p2 =	slt.u32 s8, $0xFFFFF086  }
0x1c: {  	p1 =	slt.u32 s9, $0xF7A;
	s5 =	simm.s32 @!p2 $0x0  }
0x1d: {  	s5 =	simm.s32 @p1 $0x1;
	p0 =	seq.s32 s7, s2  }
0x1e: {  	s7 =	smul.u32 @!p0 $0xF7A, s2;
	p2 =	seq.s32 @!p0 s5, $0x0  }
0x1f: {  	s9 =	smul.u32 $0xF7A, s1;
	s8 =	simm.s32 @!p0 $0x1BF5;
	p2 =	por !p2, p0  }
0x20: {  	[sflag:s8] =	ssyncset.s32 @!p0 $0xFFFFF086;
	s6 =	sadd.s32 @!p0 s3, s7;
	s7 =	simm.s32 @!p0 $0x108  }
0x21: {  	s3 =	sadd.s32 s3, s9;
	s6 =	sadd.s32 @!p0 $0x88, s6;
	s7 =	simm.s32 @p2 $0x1082  }
0x22: {  	[simem:s7], [sflag:s8] =	dma.local @!p0 [hbm:s6], $0xF7A  }
0x23: {  	s9 =	sor.u32 $0xD0000000, s2;
	s6 =	simm.s32 $0x108;
	_ =	swait.ge @!p0 [sflag:s8], $0x0  }
0x24: {  	s3 =	sadd.s32 $0x88, s3;
	s6 =	simm.s32 @!p1 $0x1082;
	[sflag:s4] =	ssyncset.s32 $0xFFFFF086  }
0x25: {  	[simem:s6], [sflag:s4] =	dma.local [hbm:s3], $0xF7A  }
0x26: {  	[smem:$0x3F9E] =	sst s1;
	(tag) =	ssettag s2;
	_ =	strace s9  }
0x27: {  	s1 =	sld [smem:$0x3FAE]  }
0x28: {  	s2 =	sld [smem:$0x3FAF]  }
0x29: {  	s4 =	sld [smem:$0x3FB1]  }
0x2a: {  	p0 =	seq.s32 s5, $0x0;
	s5 =	sld [smem:$0x3FB2]  }
0x2b: {  	s6 =	sld [smem:$0x3FB3]  }
0x2c: {  	s7 =	sld [smem:$0x3FB4]  }
0x2d: {  	s3 =	simm.s32 $0x108;
	s8 =	sld [smem:$0x3FB5]  }
0x2e: {  	s3 =	simm.s32 @!p0 $0x1082;
	s9 =	sld [smem:$0x3FB6]  }
0x2f: {  	lr =	sadd.s32 s0, s3;
	s0 =	sld [smem:$0x3FAD]  }
0x30: {  	s3 =	sld [smem:$0x3FB0]  }
0x31: {  	[smem:$0x3FB9] =	sst s10  }
0x32: {  	s10 =	sld [smem:$0x3FB7];
	_ =	sdelay $0x3  }
0x33: {  	p0 =	seq.s32 s10, $0x1;
	s10 =	sld [smem:$0x3FB9];
	_ =	sdelay $0x3  }
0x34: {  	[smem:$0x3FB9] =	sst s10  }
0x35: {  	s10 =	sld [smem:$0x3FB8];
	_ =	sdelay $0x3  }
0x36: {  	p1 =	seq.s32 s10, $0x1;
	s10 =	sld [smem:$0x3FB9];
	_ =	sdelay $0x3  }
0x37: {  	[smem:$0x3FB9] =	sst s10  }
0x38: {  	s10 =	sld [smem:$0x3FBA]  }
0x39: {  	_ = 	snop;
	(pc) =	sbr.ind lr, $3  }
0x3a: {  	_ = 	snop  }
0x3b: {  	_ = 	snop  }
0x3c: {  	p2 =	seq.s32 s10, $0x1;
	s10 =	sld [smem:$0x3FB9]  }
0x3d: {  	_ =	shalt  }
0x3e: {  	_ =	shalt  }
0x3f: {  	_ =	shalt  }
0x40: {  	_ =	shalt  }
0x41: {  	_ =	shalt  }
0x42: {  	_ =	shalt  }
0x43: {  	_ =	shalt  }
0x44: {  	_ =	shalt  }
0x45: {  	_ =	shalt  }
0x46: {  	_ =	shalt  }
0x47: {  	_ =	shalt  }
0x48: {  	_ =	shalt  }
0x49: {  	_ =	shalt  }
0x4a: {  	_ =	shalt  }
0x4b: {  	_ =	shalt  }
0x4c: {  	_ =	shalt  }
0x4d: {  	_ =	shalt  }
0x4e: {  	_ =	shalt  }
0x4f: {  	_ =	shalt  }
0x50: {  	_ =	shalt  }
0x51: {  	_ =	shalt  }
0x52: {  	_ =	shalt  }
0x53: {  	_ =	shalt  }
0x54: {  	_ =	shalt  }
0x55: {  	_ =	shalt  }
0x56: {  	_ =	shalt  }
0x57: {  	_ =	shalt  }
0x58: {  	_ =	shalt  }
0x59: {  	_ =	shalt  }
0x5a: {  	_ =	shalt  }
0x5b: {  	_ =	shalt  }
0x5c: {  	_ =	shalt  }
0x5d: {  	_ =	shalt  }
0x5e: {  	_ =	shalt  }
0x5f: {  	_ =	shalt  }
0x60: {  	_ =	shalt  }
0x61: {  	_ =	shalt  }
0x62: {  	_ =	shalt  }
0x63: {  	_ =	shalt  }
0x64: {  	_ =	shalt  }
0x65: {  	_ =	shalt  }
0x66: {  	_ =	shalt  }
0x67: {  	_ =	shalt  }
0x68: {  	_ =	shalt  }
0x69: {  	_ =	shalt  }
0x6a: {  	_ =	shalt  }
0x6b: {  	_ =	shalt  }
0x6c: {  	_ =	shalt  }
0x6d: {  	_ =	shalt  }
0x6e: {  	_ =	shalt  }
0x6f: {  	_ =	shalt  }
0x70: {  	_ =	shalt  }
0x71: {  	_ =	shalt  }
0x72: {  	_ =	shalt  }
0x73: {  	_ =	shalt  }
0x74: {  	_ =	shalt  }
0x75: {  	_ =	shalt  }
0x76: {  	_ =	shalt  }
0x77: {  	_ =	shalt  }
0x78: {  	_ =	shalt  }
0x79: {  	_ =	shalt  }
0x7a: {  	_ =	shalt  }
0x7b: {  	_ =	shalt  }
0x7c: {  	_ =	shalt  }
0x7d: {  	_ =	shalt  }
0x7e: {  	_ =	shalt  }
0x7f: {  	_ =	shalt  }
0x80: {  	_ =	shalt  }
0x81: {  	_ =	shalt  }
0x82: {  	_ =	shalt  }
0x83: {  	_ =	shalt  }
0x84: {  	_ =	shalt  }
0x85: {  	_ =	shalt  }
0x86: {  	_ =	shalt  }
0x87: {  	_ =	shalt  }
.Lfunc_end0:
.L_simem_size_0:
called_computation_lowered:
.L_overlay_start_0:
0x88: {  	s2 =	sld [smem:$0x3FD9]  }
0x89: {  	s3 =	sld [smem:$0x3FFE];
	_ =	sdelay $0x1  }
0x8a: {  	s1 =	srdreg.scid  }
0x8b: {  	s0 =	sand.u32 $0x1, s1  }
0x8c: {  	s17 =	sshll.u32 s0, $0xA;
	s2 =	sadd.s32 s3, s2  }
0x8d: {  	s2 =	sadd.s32 s2, s17  }
0x8e: {  	[smem:$0x3FC5] =	sst s2  }
0x8f: {  	_ = 	snop  }
0x90: {  	s2 =	sld [smem:$0x3FC9]  }
0x91: {  	s18 =	sld [smem:$0x3FC8]  }
0x92: {  	s4 =	sld [smem:$0x3FD0];
	(tm) =	ssettm $0x1  }
0x93: {  	s5 =	sld [smem:$0x3FFB];
	_ =	sdelay $0x3  }
0x94: {  	_ =	strace s5  }
0x95: {  	s5 =	sld [smem:$0x3FFC];
	_ =	sdelay $0x3  }
0x96: {  	_ =	strace s5  }
0x97: {  	s5 =	sld [smem:$0x3FFD];
	_ =	sdelay $0x3  }
0x98: {  	_ =	strace s5  }
0x99: {  	_ =	strace $0x8FFFFFFF  }
0x9a: {  	s19 =	sld [smem:$0x3FDB];
	_ =	sdelay $0x1  }
0x9b: {  	s6 =	simm.s32 $_scs_section_size  }
0x9c: {  	s7 =	simm.s32 $_size__tile_overlayer_lowered;
	s8 =	simm.s32 $_tile_overlayer_lowered  }
0x9d: {  	s22 =	simm.s32 $0x1BFF;
	s21 =	sshll.u32 s8, $0x1;
	s5 =	sadd.s32 s6, s19  }
0x9e: {  	s9 =	simm.s32 $0x0;
	s20 =	sshll.u32 s7, $0x1;
	s7 =	sadd.s32 s21, s5  }
0x9f: {  	[timem:s9], [sflag:s22] =	dma.local [hbm:s7], s20  }
0xa0: {  	_ =	swait.ge [sflag:s22], s20  }
0xa1: {  	s6 =	ssub.s32 $0x0, s20;
	[sflag:s22] =	ssyncset.done $0x0  }
0xa2: {  	[sflag:s22] =	ssyncadd.s32 s6;
	_ =	sdelay $0x1  }
0xa3: {  	s23 =	simm.s32 $0x1B8B  }
0xa4: {  	_ =	swait.ge [sflag:s23], $0x1  }
0xa5: {  	[sflag:s23] =	ssyncset.done $0x0  }
0xa6: {  	s25 =	simm.s32 $0x1B8E;
	s24 =	sld [smem:$0x3FFE];
	[sflag:s23] =	ssyncadd.s32 $0xFFFFFFFF  }
0xa7: {  	s26 =	simm.s32 $execute0_lowered;
	[smem:$0x3FD2] =	sst s25  }
0xa8: {  	s7 =	sshll.u32 s26, $0x1;
	_ =	strace $0x80000046;
	[dreg:$0x1] =	wrdreg $0xFFFFFFFF  }
0xa9: {  	s28 =	simm.s32 $_size_execute0_lowered;
	s5 =	sadd.s32 s5, s7;
	[dreg:$0x0] =	wrdreg $0x0  }
0xaa: {  	s7 =	sshll.u32 s28, $0x1;
	[dreg:$0x2] =	wrdreg s5  }
0xab: {  	[dreg:$0x3] =	wrdreg s7  }
0xac: {  	[dreg:$0x4] =	wrdreg $0xC0  }
0xad: {  	_ =	task [dreg:s9], $0x5FFFF  }
0xae: {  	[dreg:$0x1] =	wrdreg $0xFFFFFFFF  }
0xaf: {  	[dreg:$0x0] =	wrdreg $0x60  }
0xb0: {  	[dreg:$0x2] =	wrdreg s2  }
0xb1: {  	[dreg:$0x3] =	wrdreg s18  }
0xb2: {  	[dreg:$0x4] =	wrdreg s24  }
0xb3: {  	[dreg:$0x5] =	wrdreg s4  }
0xb4: {  	[dreg:$0x6] =	wrdreg $0x9  }
0xb5: {  	_ =	task.clear_ibuf [dreg:s9], $0x7FFFF;
	_ =	strace $0x90000046  }
0xb6: {  	s29 =	simm.s32 $0x9;
	_ =	strace $0x80000048  }
0xb7: {  	_ =	swait.ge [sflag:s29], $0x1  }
0xb8: {  	[sflag:s29] =	ssyncadd.s32 $0xFFFFFFFF  }
0xb9: {  	_ =	strace $0x90000048  }
0xba: {  	_ =	sfence  }
0xbb: {  	s30 =	sld [smem:$0x0];
	_ =	sdelay $0x2  }
0xbc: {  	s31 =	sshll.u32 s1, $0xD;
	s1 =	sshrl.u32 s1, $0x2  }
0xbd: {  	s3 =	sand.u32 $0x4000, s31;
	s1 =	sadd.s32 s1, s30  }
0xbe: {  	s0 =	sor.u32 s3, s0;
	s1 =	sshll.u32 s1, $0x11  }
0xbf: {  	s0 =	sor.u32 s1, s0  }
0xc0: {  	s0 =	sadd.s32 $0x8F2B, s0  }
0xc1: {  	[sflag:s0] =	ssyncadd.remote.s32 $0x1  }
0xc2: {  	_ =	sfence.sel $0xFFFF  }
0xc3: {  	[dreg:$0x0] =	wrdreg $0xFFFFFFFF;
	(pc) =	sbr.abs _section_cstart, $3  }
0xc4: {  	[dreg:$0x1] =	wrdreg $0xFFFFFFFF  }
0xc5: {  	_ =	task.clear_ibuf [dreg:s9], $0x2FFFF;
	_ =	strace $0x9FFFFFFF  }
0xc6: {  	(tm) =	ssettm $0x7FFFFFFF  }
0xc7: {  	_ =	shalt  }
tec
execute0_lowered:
.L_overlay_start_1:
0x0: {  	(tag) =	ssettag $0x1  }
0x1: {  	s0 =	rddreg [dreg:$0x0]  }
0x2: {  	s1 =	rddreg [dreg:$0x1]  }
0x3: {  	s3 =	rddreg [dreg:$0x2]  }
0x4: {  	s6 =	rddreg [dreg:$0x3]  }
0x5: {  	s2 =	simm.s32 $0x0;
	s4 =	srdreg.scid;
	s7 =	stileid.u32  }
0x6: {  	s9 =	simm.s32 $0x200;
	s10 =	simm.s32 $0x80;
	s11 =	simm.s32 $0x400  }
0x7: {  	s12 =	simm.s32 $0x8400;
	s13 =	simm.s32 $0x2400;
	s14 =	simm.s32 $0x280  }
0x8: {  	s15 =	simm.s32 $0xA400;
	s16 =	simm.s32 $0x100;
	s17 =	simm.s32 $0x4400  }
0x9: {  	s18 =	simm.s32 $0x300;
	s19 =	simm.s32 $0xC400;
	s20 =	simm.s32 $0x180  }
0xa: {  	v0 =	vlaneseq.u32;
	s21 =	simm.s32 $0x6400;
	s22 =	simm.s32 $0x380;
	s23 =	simm.s32 $0xE400  }
0xb: {  	s24 =	simm.s32 $0x1;
	s25 =	simm.s32 $0x10400;
	s26 =	simm.s32 $0x10580;
	v0 =	vmul.u32 $0x18, v0  }
0xc: {  	s28 =	simm.s32 $0x10700;
	s29 =	simm.s32 $0x10880;
	s30 =	simm.s32 $0x0  }
0xd: {  	[smem:$0x7FF] =	sst s2;
	s4 =	sand.u32 $0x1, s4;
	s7 =	sshll.u32 s7, $0x7;
	v1 =	vor.u32 $0x1, v0;
	v2 =	vor.u32 $0x2, v0;
	v3 =	vor.u32 $0x3, v0  }
0xe: {  	s3 =	sadd.s32 $0xF42800, s3;
	s5 =	ssub.s32 $0x2, s4;
	s4 =	sshll.u32 s4, $0x6;
	v4 =	vor.u32 $0x4, v0;
	v5 =	vor.u32 $0x5, v0;
	v6 =	vor.u32 $0x6, v0  }
0xf: {  	_ =	strace $0x80000047;
	s8 =	sshrl.u32 s5, $0x1;
	s7 =	sor.u32 s4, s7;
	v7 =	vor.u32 $0x7, v0;
	v8 =	vadd.s32 $0x8, v0;
	v9 =	vadd.s32 $0x9, v0  }
0x10: {  	v10 =	vadd.s32 $0xA, v0;
	v11 =	vadd.s32 $0xB, v0;
	v12 =	vadd.s32 $0xC, v0;
	s8 =	ssub.s32 s5, s8;
	s4 =	sadd.s32 s0, s7;
	s5 =	sadd.s32 s1, s7  }
0x11: {  	v13 =	vadd.s32 $0xD, v0;
	v14 =	vadd.s32 $0xE, v0;
	v15 =	vadd.s32 $0xF, v0;
	s6 =	sadd.s32 s6, s7;
	s7 =	smax.u32 s8, $0x1;
	s8 =	simm.s32 $0x2  }
.LBB2_1:
0x12: {  	[tilespmem:s2], [sflag:$0x2] =	stream.linear.gather [hbm4b:s4+s2], $0x200, $0x38;
	[tilespmem:$0x10A80] =	vst v63  }
0x13: {  	_ =	swait.ge [sflag:s8], $0x200  }
0x14: {  	[sflag:s8] =	ssyncset.done $0x0  }
0x15: {  	[sflag:s8] =	ssyncadd.s32 $0xFFFFFE00  }
0x16: {  	[tilespmem:s9], [sflag:$0x2] =	stream.linear.gather [hbm4b:s5+s2], $0x200, $0x38;
	[tilespmem:$0x10A80] =	vst v63  }
0x17: {  	_ =	swait.ge [sflag:s8], $0x200  }
0x18: {  	[sflag:s8] =	ssyncset.done $0x0  }
0x19: {  	[sflag:s8] =	ssyncadd.s32 $0xFFFFFE00  }
0x1a: {  	[tilespmem:s11], [sflag:$0x1] =	stream.indirect.gather [hbm4b:s3+s10], $0x40, s2, s10, $0xb8;
	[tilespmem:$0x10A80] =	vst v63  }
0x1b: {  	_ = 	snop  }
0x1c: {  	[tilespmem:s12], [sflag:$0x1] =	stream.indirect.gather [hbm4b:s3+s10], $0x40, s9, s10, $0xb8;
	[tilespmem:$0x10A80] =	vst v63  }
0x1d: {  	_ = 	snop  }
0x1e: {  	[tilespmem:s13], [sflag:$0x1] =	stream.indirect.gather [hbm4b:s3+s10], $0x40, s10, s10, $0xb8;
	[tilespmem:$0x10A80] =	vst v63  }
0x1f: {  	_ = 	snop  }
0x20: {  	[tilespmem:s15], [sflag:$0x1] =	stream.indirect.gather [hbm4b:s3+s10], $0x40, s14, s10, $0xb8;
	[tilespmem:$0x10A80] =	vst v63  }
0x21: {  	_ = 	snop  }
0x22: {  	[tilespmem:s17], [sflag:$0x1] =	stream.indirect.gather [hbm4b:s3+s10], $0x40, s16, s10, $0xb8;
	[tilespmem:$0x10A80] =	vst v63  }
0x23: {  	_ = 	snop  }
0x24: {  	[tilespmem:s19], [sflag:$0x1] =	stream.indirect.gather [hbm4b:s3+s10], $0x40, s18, s10, $0xb8;
	[tilespmem:$0x10A80] =	vst v63  }
0x25: {  	_ = 	snop  }
0x26: {  	[tilespmem:s21], [sflag:$0x1] =	stream.indirect.gather [hbm4b:s3+s10], $0x40, s20, s10, $0xb8;
	[tilespmem:$0x10A80] =	vst v63  }
0x27: {  	_ = 	snop  }
0x28: {  	[tilespmem:s23], [sflag:$0x1] =	stream.indirect.gather [hbm4b:s3+s10], $0x40, s22, s10, $0xb8;
	[tilespmem:$0x10A80] =	vst v63  }
0x29: {  	_ =	swait.ge [sflag:s24], $0x2000  }
0x2a: {  	[sflag:s24] =	ssyncset.done $0x0  }
0x2b: {  	[sflag:s24] =	ssyncadd.s32 $0xFFFFE000  }
0x2c: {  	_ =	swait.ge [sflag:s24], $0x2000  }
0x2d: {  	[sflag:s24] =	ssyncset.done $0x0  }
0x2e: {  	[sflag:s24] =	ssyncadd.s32 $0xFFFFE000  }
0x2f: {  	_ =	swait.ge [sflag:s24], $0x2000  }
0x30: {  	[sflag:s24] =	ssyncset.done $0x0  }
0x31: {  	[sflag:s24] =	ssyncadd.s32 $0xFFFFE000  }
0x32: {  	_ =	swait.ge [sflag:s24], $0x2000  }
0x33: {  	[sflag:s24] =	ssyncset.done $0x0  }
0x34: {  	[sflag:s24] =	ssyncadd.s32 $0xFFFFE000  }
0x35: {  	_ =	swait.ge [sflag:s24], $0x2000  }
0x36: {  	[sflag:s24] =	ssyncset.done $0x0  }
0x37: {  	[sflag:s24] =	ssyncadd.s32 $0xFFFFE000  }
0x38: {  	_ =	swait.ge [sflag:s24], $0x2000  }
0x39: {  	[sflag:s24] =	ssyncset.done $0x0  }
0x3a: {  	[sflag:s24] =	ssyncadd.s32 $0xFFFFE000  }
0x3b: {  	_ =	swait.ge [sflag:s24], $0x2000  }
0x3c: {  	[sflag:s24] =	ssyncset.done $0x0  }
0x3d: {  	[sflag:s24] =	ssyncadd.s32 $0xFFFFE000  }
0x3e: {  	_ =	swait.ge [sflag:s24], $0x2000  }
0x3f: {  	[sflag:s24] =	ssyncset.done $0x0  }
0x40: {  	s31 =	simm.s32 $0x10880;
	s0 =	simm.s32 $0x0;
	[sflag:s24] =	ssyncadd.s32 $0xFFFFE000  }
.LBB2_2:
0x41: {  	s1 =	sshra.s32 s0, $0x2  }
0x42: {  	v16 =	vld [tilespmem:s1+$0x400]  }
0x43: {  	v17 =	vld [tilespmem:s1+$0x410]  }
0x44: {  	v18 =	vld [tilespmem:s1+$0x420]  }
0x45: {  	v19 =	vld [tilespmem:s1+$0x8400]  }
0x46: {  	v20 =	vld [tilespmem:s1+$0x8410]  }
0x47: {  	v21 =	vld [tilespmem:s1+$0x8420];
	_ =	sdelay $0x1  }
0x48: {  	v22 =	vld [tilespmem:s1+$0x430]  }
0x49: {  	v23 =	vld [tilespmem:s1+$0x8430]  }
0x4a: {  	v24 =	vmul.f32 v19, v16  }
0x4b: {  	v25 =	vmul.f32 v20, v17;
	v26 =	vmul.f32 v21, v18  }
0x4c: {  	v16 =	vmul.f32 v16, v16;
	v17 =	vmul.f32 v17, v17  }
0x4d: {  	v19 =	vmul.f32 v19, v19;
	v20 =	vmul.f32 v20, v20;
	v24 =	vadd.f32 v25, v24  }
0x4e: {  	v56 =	vmul.f32 v23, v22;
	v16 =	vadd.f32 v17, v16;
	v17 =	vmul.f32 v18, v18  }
0x4f: {  	v57 =	vmul.f32 v21, v21;
	v19 =	vadd.f32 v20, v19;
	v24 =	vadd.f32 v26, v24  }
0x50: {  	v16 =	vadd.f32 v17, v16;
	v17 =	vmul.f32 v22, v22  }
0x51: {  	v58 =	vmul.f32 v23, v23;
	v19 =	vadd.f32 v57, v19;
	v18 =	vadd.f32 v56, v24  }
0x52: {  	v16 =	vadd.f32 v17, v16  }
0x53: {  	v17 =	vadd.f32 v58, v19;
	[tilespmem:$0x10400] =	vst v18  }
0x54: {  	[tilespmem:$0x10580] =	vst v16  }
0x55: {  	[tilespmem:$0x10700] =	vst v17  }
0x56: {  	v16 =	vld [tilespmem:s1+$0x440]  }
0x57: {  	v17 =	vld [tilespmem:s1+$0x450]  }
0x58: {  	v18 =	vld [tilespmem:s1+$0x460]  }
0x59: {  	v59 =	vld [tilespmem:s1+$0x8440]  }
0x5a: {  	v60 =	vld [tilespmem:s1+$0x8450]  }
0x5b: {  	v61 =	vld [tilespmem:s1+$0x8460];
	_ =	sdelay $0x1  }
0x5c: {  	v62 =	vld [tilespmem:s1+$0x470]  }
0x5d: {  	v63 =	vld [tilespmem:s1+$0x8470]  }
0x5e: {  	v28 =	vmul.f32 v59, v16  }
0x5f: {  	v29 =	vmul.f32 v60, v17;
	v30 =	vmul.f32 v61, v18  }
0x60: {  	v16 =	vmul.f32 v16, v16;
	v17 =	vmul.f32 v17, v17  }
0x61: {  	v19 =	vmul.f32 v59, v59;
	v20 =	vmul.f32 v60, v60;
	v24 =	vadd.f32 v29, v28  }
0x62: {  	v31 =	vmul.f32 v63, v62;
	v16 =	vadd.f32 v17, v16;
	v17 =	vmul.f32 v18, v18  }
0x63: {  	v32 =	vmul.f32 v61, v61;
	v19 =	vadd.f32 v20, v19;
	v24 =	vadd.f32 v30, v24  }
0x64: {  	v16 =	vadd.f32 v17, v16;
	v17 =	vmul.f32 v62, v62  }
0x65: {  	v33 =	vmul.f32 v63, v63;
	v19 =	vadd.f32 v32, v19;
	v18 =	vadd.f32 v31, v24  }
0x66: {  	v16 =	vadd.f32 v17, v16  }
0x67: {  	v17 =	vadd.f32 v33, v19;
	[tilespmem:$0x10418] =	vst v18  }
0x68: {  	[tilespmem:$0x10598] =	vst v16  }
0x69: {  	[tilespmem:$0x10718] =	vst v17  }
0x6a: {  	v16 =	vld [tilespmem:s1+$0x480]  }
0x6b: {  	v17 =	vld [tilespmem:s1+$0x490]  }
0x6c: {  	v18 =	vld [tilespmem:s1+$0x4A0]  }
0x6d: {  	v34 =	vld [tilespmem:s1+$0x8480]  }
0x6e: {  	v35 =	vld [tilespmem:s1+$0x8490]  }
0x6f: {  	v36 =	vld [tilespmem:s1+$0x84A0];
	_ =	sdelay $0x1  }
0x70: {  	v37 =	vld [tilespmem:s1+$0x4B0]  }
0x71: {  	v38 =	vld [tilespmem:s1+$0x84B0]  }
0x72: {  	v39 =	vmul.f32 v34, v16  }
0x73: {  	v40 =	vmul.f32 v35, v17;
	v41 =	vmul.f32 v36, v18  }
0x74: {  	v16 =	vmul.f32 v16, v16;
	v17 =	vmul.f32 v17, v17  }
0x75: {  	v19 =	vmul.f32 v34, v34;
	v20 =	vmul.f32 v35, v35;
	v24 =	vadd.f32 v40, v39  }
0x76: {  	v42 =	vmul.f32 v38, v37;
	v16 =	vadd.f32 v17, v16;
	v17 =	vmul.f32 v18, v18  }
0x77: {  	v43 =	vmul.f32 v36, v36;
	v19 =	vadd.f32 v20, v19;
	v24 =	vadd.f32 v41, v24  }
0x78: {  	v16 =	vadd.f32 v17, v16;
	v17 =	vmul.f32 v37, v37  }
0x79: {  	v44 =	vmul.f32 v38, v38;
	v19 =	vadd.f32 v43, v19;
	v18 =	vadd.f32 v42, v24  }
0x7a: {  	v16 =	vadd.f32 v17, v16  }
0x7b: {  	v17 =	vadd.f32 v44, v19;
	[tilespmem:$0x10430] =	vst v18  }
0x7c: {  	[tilespmem:$0x105B0] =	vst v16  }
0x7d: {  	[tilespmem:$0x10730] =	vst v17  }
0x7e: {  	v16 =	vld [tilespmem:s1+$0x4C0]  }
0x7f: {  	v17 =	vld [tilespmem:s1+$0x4D0]  }
0x80: {  	v18 =	vld [tilespmem:s1+$0x4E0]  }
0x81: {  	v45 =	vld [tilespmem:s1+$0x84C0]  }
0x82: {  	v46 =	vld [tilespmem:s1+$0x84D0]  }
0x83: {  	v47 =	vld [tilespmem:s1+$0x84E0];
	_ =	sdelay $0x1  }
0x84: {  	v48 =	vld [tilespmem:s1+$0x4F0]  }
0x85: {  	v49 =	vld [tilespmem:s1+$0x84F0]  }
0x86: {  	v50 =	vmul.f32 v45, v16  }
0x87: {  	v51 =	vmul.f32 v46, v17;
	v52 =	vmul.f32 v47, v18  }
0x88: {  	v16 =	vmul.f32 v16, v16;
	v17 =	vmul.f32 v17, v17  }
0x89: {  	v19 =	vmul.f32 v45, v45;
	v20 =	vmul.f32 v46, v46;
	v24 =	vadd.f32 v51, v50  }
0x8a: {  	v53 =	vmul.f32 v49, v48;
	v16 =	vadd.f32 v17, v16;
	v17 =	vmul.f32 v18, v18  }
0x8b: {  	v54 =	vmul.f32 v47, v47;
	v19 =	vadd.f32 v20, v19;
	v24 =	vadd.f32 v52, v24  }
0x8c: {  	v16 =	vadd.f32 v17, v16;
	v17 =	vmul.f32 v48, v48  }
0x8d: {  	v55 =	vmul.f32 v49, v49;
	v19 =	vadd.f32 v54, v19;
	v18 =	vadd.f32 v53, v24  }
0x8e: {  	v16 =	vadd.f32 v17, v16  }
0x8f: {  	v17 =	vadd.f32 v55, v19;
	[tilespmem:$0x10448] =	vst v18  }
0x90: {  	[tilespmem:$0x105C8] =	vst v16  }
0x91: {  	[tilespmem:$0x10748] =	vst v17  }
0x92: {  	v16 =	vld [tilespmem:s1+$0x500]  }
0x93: {  	v17 =	vld [tilespmem:s1+$0x510]  }
0x94: {  	v18 =	vld [tilespmem:s1+$0x520]  }
0x95: {  	v56 =	vld [tilespmem:s1+$0x8500]  }
0x96: {  	v57 =	vld [tilespmem:s1+$0x8510]  }
0x97: {  	v58 =	vld [tilespmem:s1+$0x8520];
	_ =	sdelay $0x1  }
0x98: {  	v59 =	vld [tilespmem:s1+$0x530]  }
0x99: {  	v60 =	vld [tilespmem:s1+$0x8530]  }
0x9a: {  	v61 =	vmul.f32 v56, v16  }
0x9b: {  	v62 =	vmul.f32 v57, v17;
	v63 =	vmul.f32 v58, v18  }
0x9c: {  	v16 =	vmul.f32 v16, v16;
	v17 =	vmul.f32 v17, v17  }
0x9d: {  	v19 =	vmul.f32 v56, v56;
	v20 =	vmul.f32 v57, v57;
	v24 =	vadd.f32 v62, v61  }
0x9e: {  	v26 =	vmul.f32 v60, v59;
	v16 =	vadd.f32 v17, v16;
	v17 =	vmul.f32 v18, v18  }
0x9f: {  	v27 =	vmul.f32 v58, v58;
	v19 =	vadd.f32 v20, v19;
	v24 =	vadd.f32 v63, v24  }
0xa0: {  	v16 =	vadd.f32 v17, v16;
	v17 =	vmul.f32 v59, v59  }
0xa1: {  	v28 =	vmul.f32 v60, v60;
	v19 =	vadd.f32 v27, v19;
	v18 =	vadd.f32 v26, v24  }
0xa2: {  	v16 =	vadd.f32 v17, v16  }
0xa3: {  	v17 =	vadd.f32 v28, v19;
	[tilespmem:$0x10460] =	vst v18  }
0xa4: {  	[tilespmem:$0x105E0] =	vst v16  }
0xa5: {  	[tilespmem:$0x10760] =	vst v17  }
0xa6: {  	v16 =	vld [tilespmem:s1+$0x540]  }
0xa7: {  	v17 =	vld [tilespmem:s1+$0x550]  }
0xa8: {  	v18 =	vld [tilespmem:s1+$0x560]  }
0xa9: {  	v29 =	vld [tilespmem:s1+$0x8540]  }
0xaa: {  	v30 =	vld [tilespmem:s1+$0x8550]  }
0xab: {  	v31 =	vld [tilespmem:s1+$0x8560];
	_ =	sdelay $0x1  }
0xac: {  	v32 =	vld [tilespmem:s1+$0x570]  }
0xad: {  	v33 =	vld [tilespmem:s1+$0x8570]  }
0xae: {  	v34 =	vmul.f32 v29, v16  }
0xaf: {  	v35 =	vmul.f32 v30, v17;
	v36 =	vmul.f32 v31, v18  }
0xb0: {  	v16 =	vmul.f32 v16, v16;
	v17 =	vmul.f32 v17, v17  }
0xb1: {  	v19 =	vmul.f32 v29, v29;
	v20 =	vmul.f32 v30, v30;
	v24 =	vadd.f32 v35, v34  }
0xb2: {  	v37 =	vmul.f32 v33, v32;
	v16 =	vadd.f32 v17, v16;
	v17 =	vmul.f32 v18, v18  }
0xb3: {  	v38 =	vmul.f32 v31, v31;
	v19 =	vadd.f32 v20, v19;
	v24 =	vadd.f32 v36, v24  }
0xb4: {  	v16 =	vadd.f32 v17, v16;
	v17 =	vmul.f32 v32, v32  }
0xb5: {  	v39 =	vmul.f32 v33, v33;
	v19 =	vadd.f32 v38, v19;
	v18 =	vadd.f32 v37, v24  }
0xb6: {  	v16 =	vadd.f32 v17, v16  }
0xb7: {  	v17 =	vadd.f32 v39, v19;
	[tilespmem:$0x10478] =	vst v18  }
0xb8: {  	[tilespmem:$0x105F8] =	vst v16  }
0xb9: {  	[tilespmem:$0x10778] =	vst v17  }
0xba: {  	v16 =	vld [tilespmem:s1+$0x580]  }
0xbb: {  	v17 =	vld [tilespmem:s1+$0x590]  }
0xbc: {  	v18 =	vld [tilespmem:s1+$0x5A0]  }
0xbd: {  	v40 =	vld [tilespmem:s1+$0x8580]  }
0xbe: {  	v41 =	vld [tilespmem:s1+$0x8590]  }
0xbf: {  	v42 =	vld [tilespmem:s1+$0x85A0];
	_ =	sdelay $0x1  }
0xc0: {  	v43 =	vld [tilespmem:s1+$0x5B0]  }
0xc1: {  	v44 =	vld [tilespmem:s1+$0x85B0]  }
0xc2: {  	v45 =	vmul.f32 v40, v16  }
0xc3: {  	v46 =	vmul.f32 v41, v17;
	v47 =	vmul.f32 v42, v18  }
0xc4: {  	v16 =	vmul.f32 v16, v16;
	v17 =	vmul.f32 v17, v17  }
0xc5: {  	v19 =	vmul.f32 v40, v40;
	v20 =	vmul.f32 v41, v41;
	v24 =	vadd.f32 v46, v45  }
0xc6: {  	v48 =	vmul.f32 v44, v43;
	v16 =	vadd.f32 v17, v16;
	v17 =	vmul.f32 v18, v18  }
0xc7: {  	v49 =	vmul.f32 v42, v42;
	v19 =	vadd.f32 v20, v19;
	v24 =	vadd.f32 v47, v24  }
0xc8: {  	v16 =	vadd.f32 v17, v16;
	v17 =	vmul.f32 v43, v43  }
0xc9: {  	v50 =	vmul.f32 v44, v44;
	v19 =	vadd.f32 v49, v19;
	v18 =	vadd.f32 v48, v24  }
0xca: {  	v16 =	vadd.f32 v17, v16  }
0xcb: {  	v17 =	vadd.f32 v50, v19;
	[tilespmem:$0x10490] =	vst v18  }
0xcc: {  	[tilespmem:$0x10610] =	vst v16  }
0xcd: {  	[tilespmem:$0x10790] =	vst v17  }
0xce: {  	v16 =	vld [tilespmem:s1+$0x5C0]  }
0xcf: {  	v17 =	vld [tilespmem:s1+$0x5D0]  }
0xd0: {  	v18 =	vld [tilespmem:s1+$0x5E0]  }
0xd1: {  	v51 =	vld [tilespmem:s1+$0x85C0]  }
0xd2: {  	v52 =	vld [tilespmem:s1+$0x85D0]  }
0xd3: {  	v53 =	vld [tilespmem:s1+$0x85E0];
	_ =	sdelay $0x1  }
0xd4: {  	v54 =	vld [tilespmem:s1+$0x5F0]  }
0xd5: {  	v55 =	vld [tilespmem:s1+$0x85F0]  }
0xd6: {  	v56 =	vmul.f32 v51, v16  }
0xd7: {  	v57 =	vmul.f32 v52, v17;
	v58 =	vmul.f32 v53, v18  }
0xd8: {  	v16 =	vmul.f32 v16, v16;
	v17 =	vmul.f32 v17, v17  }
0xd9: {  	v19 =	vmul.f32 v51, v51;
	v20 =	vmul.f32 v52, v52;
	v24 =	vadd.f32 v57, v56  }
0xda: {  	v59 =	vmul.f32 v55, v54;
	v16 =	vadd.f32 v17, v16;
	v17 =	vmul.f32 v18, v18  }
0xdb: {  	v60 =	vmul.f32 v53, v53;
	v19 =	vadd.f32 v20, v19;
	v24 =	vadd.f32 v58, v24  }
0xdc: {  	v16 =	vadd.f32 v17, v16;
	v17 =	vmul.f32 v54, v54  }
0xdd: {  	v61 =	vmul.f32 v55, v55;
	v19 =	vadd.f32 v60, v19;
	v18 =	vadd.f32 v59, v24  }
0xde: {  	v16 =	vadd.f32 v17, v16  }
0xdf: {  	v17 =	vadd.f32 v61, v19;
	[tilespmem:$0x104A8] =	vst v18  }
0xe0: {  	[tilespmem:$0x10628] =	vst v16  }
0xe1: {  	[tilespmem:$0x107A8] =	vst v17  }
0xe2: {  	v16 =	vld [tilespmem:s1+$0x600]  }
0xe3: {  	v17 =	vld [tilespmem:s1+$0x610]  }
0xe4: {  	v18 =	vld [tilespmem:s1+$0x620]  }
0xe5: {  	v62 =	vld [tilespmem:s1+$0x8600]  }
0xe6: {  	v63 =	vld [tilespmem:s1+$0x8610]  }
0xe7: {  	v28 =	vld [tilespmem:s1+$0x8620];
	_ =	sdelay $0x1  }
0xe8: {  	v29 =	vld [tilespmem:s1+$0x630]  }
0xe9: {  	v30 =	vld [tilespmem:s1+$0x8630]  }
0xea: {  	v31 =	vmul.f32 v62, v16  }
0xeb: {  	v32 =	vmul.f32 v63, v17;
	v33 =	vmul.f32 v28, v18  }
0xec: {  	v16 =	vmul.f32 v16, v16;
	v17 =	vmul.f32 v17, v17  }
0xed: {  	v19 =	vmul.f32 v62, v62;
	v20 =	vmul.f32 v63, v63;
	v24 =	vadd.f32 v32, v31  }
0xee: {  	v34 =	vmul.f32 v30, v29;
	v16 =	vadd.f32 v17, v16;
	v17 =	vmul.f32 v18, v18  }
0xef: {  	v35 =	vmul.f32 v28, v28;
	v19 =	vadd.f32 v20, v19;
	v24 =	vadd.f32 v33, v24  }
0xf0: {  	v16 =	vadd.f32 v17, v16;
	v17 =	vmul.f32 v29, v29  }
0xf1: {  	v36 =	vmul.f32 v30, v30;
	v19 =	vadd.f32 v35, v19;
	v18 =	vadd.f32 v34, v24  }
0xf2: {  	v16 =	vadd.f32 v17, v16  }
0xf3: {  	v17 =	vadd.f32 v36, v19;
	[tilespmem:$0x104C0] =	vst v18  }
0xf4: {  	[tilespmem:$0x10640] =	vst v16  }
0xf5: {  	[tilespmem:$0x107C0] =	vst v17  }
0xf6: {  	v16 =	vld [tilespmem:s1+$0x640]  }
0xf7: {  	v17 =	vld [tilespmem:s1+$0x650]  }
0xf8: {  	v18 =	vld [tilespmem:s1+$0x660]  }
0xf9: {  	v37 =	vld [tilespmem:s1+$0x8640]  }
0xfa: {  	v38 =	vld [tilespmem:s1+$0x8650]  }
0xfb: {  	v39 =	vld [tilespmem:s1+$0x8660];
	_ =	sdelay $0x1  }
0xfc: {  	v40 =	vld [tilespmem:s1+$0x670]  }
0xfd: {  	v41 =	vld [tilespmem:s1+$0x8670]  }
0xfe: {  	v42 =	vmul.f32 v37, v16  }
0xff: {  	v43 =	vmul.f32 v38, v17;
	v44 =	vmul.f32 v39, v18  }
0x100: {  	v16 =	vmul.f32 v16, v16;
	v17 =	vmul.f32 v17, v17  }
0x101: {  	v19 =	vmul.f32 v37, v37;
	v20 =	vmul.f32 v38, v38;
	v24 =	vadd.f32 v43, v42  }
0x102: {  	v45 =	vmul.f32 v41, v40;
	v16 =	vadd.f32 v17, v16;
	v17 =	vmul.f32 v18, v18  }
0x103: {  	v46 =	vmul.f32 v39, v39;
	v19 =	vadd.f32 v20, v19;
	v24 =	vadd.f32 v44, v24  }
0x104: {  	v16 =	vadd.f32 v17, v16;
	v17 =	vmul.f32 v40, v40  }
0x105: {  	v47 =	vmul.f32 v41, v41;
	v19 =	vadd.f32 v46, v19;
	v18 =	vadd.f32 v45, v24  }
0x106: {  	v16 =	vadd.f32 v17, v16  }
0x107: {  	v17 =	vadd.f32 v47, v19;
	[tilespmem:$0x104D8] =	vst v18  }
0x108: {  	[tilespmem:$0x10658] =	vst v16  }
0x109: {  	[tilespmem:$0x107D8] =	vst v17  }
0x10a: {  	v16 =	vld [tilespmem:s1+$0x680]  }
0x10b: {  	v17 =	vld [tilespmem:s1+$0x690]  }
0x10c: {  	v18 =	vld [tilespmem:s1+$0x6A0]  }
0x10d: {  	v48 =	vld [tilespmem:s1+$0x8680]  }
0x10e: {  	v49 =	vld [tilespmem:s1+$0x8690]  }
0x10f: {  	v50 =	vld [tilespmem:s1+$0x86A0];
	_ =	sdelay $0x1  }
0x110: {  	v51 =	vld [tilespmem:s1+$0x6B0]  }
0x111: {  	v52 =	vld [tilespmem:s1+$0x86B0]  }
0x112: {  	v53 =	vmul.f32 v48, v16  }
0x113: {  	v54 =	vmul.f32 v49, v17;
	v55 =	vmul.f32 v50, v18  }
0x114: {  	v16 =	vmul.f32 v16, v16;
	v17 =	vmul.f32 v17, v17  }
0x115: {  	v19 =	vmul.f32 v48, v48;
	v20 =	vmul.f32 v49, v49;
	v24 =	vadd.f32 v54, v53  }
0x116: {  	v56 =	vmul.f32 v52, v51;
	v16 =	vadd.f32 v17, v16;
	v17 =	vmul.f32 v18, v18  }
0x117: {  	v57 =	vmul.f32 v50, v50;
	v19 =	vadd.f32 v20, v19;
	v24 =	vadd.f32 v55, v24  }
0x118: {  	v16 =	vadd.f32 v17, v16;
	v17 =	vmul.f32 v51, v51  }
0x119: {  	v58 =	vmul.f32 v52, v52;
	v19 =	vadd.f32 v57, v19;
	v18 =	vadd.f32 v56, v24  }
0x11a: {  	v16 =	vadd.f32 v17, v16  }
0x11b: {  	v17 =	vadd.f32 v58, v19;
	[tilespmem:$0x104F0] =	vst v18  }
0x11c: {  	[tilespmem:$0x10670] =	vst v16  }
0x11d: {  	[tilespmem:$0x107F0] =	vst v17  }
0x11e: {  	v16 =	vld [tilespmem:s1+$0x6C0]  }
0x11f: {  	v17 =	vld [tilespmem:s1+$0x6D0]  }
0x120: {  	v18 =	vld [tilespmem:s1+$0x6E0]  }
0x121: {  	v59 =	vld [tilespmem:s1+$0x86C0]  }
0x122: {  	v60 =	vld [tilespmem:s1+$0x86D0]  }
0x123: {  	v61 =	vld [tilespmem:s1+$0x86E0];
	_ =	sdelay $0x1  }
0x124: {  	v62 =	vld [tilespmem:s1+$0x6F0]  }
0x125: {  	v63 =	vld [tilespmem:s1+$0x86F0]  }
0x126: {  	v28 =	vmul.f32 v59, v16  }
0x127: {  	v29 =	vmul.f32 v60, v17;
	v30 =	vmul.f32 v61, v18  }
0x128: {  	v16 =	vmul.f32 v16, v16;
	v17 =	vmul.f32 v17, v17  }
0x129: {  	v19 =	vmul.f32 v59, v59;
	v20 =	vmul.f32 v60, v60;
	v24 =	vadd.f32 v29, v28  }
0x12a: {  	v31 =	vmul.f32 v63, v62;
	v16 =	vadd.f32 v17, v16;
	v17 =	vmul.f32 v18, v18  }
0x12b: {  	v32 =	vmul.f32 v61, v61;
	v19 =	vadd.f32 v20, v19;
	v24 =	vadd.f32 v30, v24  }
0x12c: {  	v16 =	vadd.f32 v17, v16;
	v17 =	vmul.f32 v62, v62  }
0x12d: {  	v33 =	vmul.f32 v63, v63;
	v19 =	vadd.f32 v32, v19;
	v18 =	vadd.f32 v31, v24  }
0x12e: {  	v16 =	vadd.f32 v17, v16  }
0x12f: {  	v17 =	vadd.f32 v33, v19;
	[tilespmem:$0x10508] =	vst v18  }
0x130: {  	[tilespmem:$0x10688] =	vst v16  }
0x131: {  	[tilespmem:$0x10808] =	vst v17  }
0x132: {  	v16 =	vld [tilespmem:s1+$0x700]  }
0x133: {  	v17 =	vld [tilespmem:s1+$0x710]  }
0x134: {  	v18 =	vld [tilespmem:s1+$0x720]  }
0x135: {  	v34 =	vld [tilespmem:s1+$0x8700]  }
0x136: {  	v35 =	vld [tilespmem:s1+$0x8710]  }
0x137: {  	v36 =	vld [tilespmem:s1+$0x8720];
	_ =	sdelay $0x1  }
0x138: {  	v37 =	vld [tilespmem:s1+$0x730]  }
0x139: {  	v38 =	vld [tilespmem:s1+$0x8730]  }
0x13a: {  	v39 =	vmul.f32 v34, v16  }
0x13b: {  	v40 =	vmul.f32 v35, v17;
	v41 =	vmul.f32 v36, v18  }
0x13c: {  	v16 =	vmul.f32 v16, v16;
	v17 =	vmul.f32 v17, v17  }
0x13d: {  	v19 =	vmul.f32 v34, v34;
	v20 =	vmul.f32 v35, v35;
	v24 =	vadd.f32 v40, v39  }
0x13e: {  	v42 =	vmul.f32 v38, v37;
	v16 =	vadd.f32 v17, v16;
	v17 =	vmul.f32 v18, v18  }
0x13f: {  	v43 =	vmul.f32 v36, v36;
	v19 =	vadd.f32 v20, v19;
	v24 =	vadd.f32 v41, v24  }
0x140: {  	v16 =	vadd.f32 v17, v16;
	v17 =	vmul.f32 v37, v37  }
0x141: {  	v44 =	vmul.f32 v38, v38;
	v19 =	vadd.f32 v43, v19;
	v18 =	vadd.f32 v42, v24  }
0x142: {  	v16 =	vadd.f32 v17, v16  }
0x143: {  	v17 =	vadd.f32 v44, v19;
	[tilespmem:$0x10520] =	vst v18  }
0x144: {  	[tilespmem:$0x106A0] =	vst v16  }
0x145: {  	[tilespmem:$0x10820] =	vst v17  }
0x146: {  	v16 =	vld [tilespmem:s1+$0x740]  }
0x147: {  	v17 =	vld [tilespmem:s1+$0x750]  }
0x148: {  	v18 =	vld [tilespmem:s1+$0x760]  }
0x149: {  	v45 =	vld [tilespmem:s1+$0x8740]  }
0x14a: {  	v46 =	vld [tilespmem:s1+$0x8750]  }
0x14b: {  	v47 =	vld [tilespmem:s1+$0x8760];
	_ =	sdelay $0x1  }
0x14c: {  	v48 =	vld [tilespmem:s1+$0x770]  }
0x14d: {  	v49 =	vld [tilespmem:s1+$0x8770]  }
0x14e: {  	v50 =	vmul.f32 v45, v16  }
0x14f: {  	v51 =	vmul.f32 v46, v17;
	v52 =	vmul.f32 v47, v18  }
0x150: {  	v16 =	vmul.f32 v16, v16;
	v17 =	vmul.f32 v17, v17  }
0x151: {  	v19 =	vmul.f32 v45, v45;
	v20 =	vmul.f32 v46, v46;
	v24 =	vadd.f32 v51, v50  }
0x152: {  	v53 =	vmul.f32 v49, v48;
	v16 =	vadd.f32 v17, v16;
	v17 =	vmul.f32 v18, v18  }
0x153: {  	v54 =	vmul.f32 v47, v47;
	v19 =	vadd.f32 v20, v19;
	v24 =	vadd.f32 v52, v24  }
0x154: {  	v16 =	vadd.f32 v17, v16;
	v17 =	vmul.f32 v48, v48  }
0x155: {  	v55 =	vmul.f32 v49, v49;
	v19 =	vadd.f32 v54, v19;
	v18 =	vadd.f32 v53, v24  }
0x156: {  	v16 =	vadd.f32 v17, v16  }
0x157: {  	v17 =	vadd.f32 v55, v19;
	[tilespmem:$0x10538] =	vst v18  }
0x158: {  	[tilespmem:$0x106B8] =	vst v16  }
0x159: {  	[tilespmem:$0x10838] =	vst v17  }
0x15a: {  	v16 =	vld [tilespmem:s1+$0x780]  }
0x15b: {  	v17 =	vld [tilespmem:s1+$0x790]  }
0x15c: {  	v18 =	vld [tilespmem:s1+$0x7A0]  }
0x15d: {  	v56 =	vld [tilespmem:s1+$0x8780]  }
0x15e: {  	v57 =	vld [tilespmem:s1+$0x8790]  }
0x15f: {  	v58 =	vld [tilespmem:s1+$0x87A0];
	_ =	sdelay $0x1  }
0x160: {  	v59 =	vld [tilespmem:s1+$0x7B0]  }
0x161: {  	v60 =	vld [tilespmem:s1+$0x87B0]  }
0x162: {  	v61 =	vmul.f32 v56, v16  }
0x163: {  	v62 =	vmul.f32 v57, v17;
	v63 =	vmul.f32 v58, v18  }
0x164: {  	v16 =	vmul.f32 v16, v16;
	v17 =	vmul.f32 v17, v17  }
0x165: {  	v19 =	vmul.f32 v56, v56;
	v20 =	vmul.f32 v57, v57;
	v24 =	vadd.f32 v62, v61  }
0x166: {  	v28 =	vmul.f32 v60, v59;
	v16 =	vadd.f32 v17, v16;
	v17 =	vmul.f32 v18, v18  }
0x167: {  	v29 =	vmul.f32 v58, v58;
	v19 =	vadd.f32 v20, v19;
	v24 =	vadd.f32 v63, v24  }
0x168: {  	v16 =	vadd.f32 v17, v16;
	v17 =	vmul.f32 v59, v59  }
0x169: {  	v30 =	vmul.f32 v60, v60;
	v19 =	vadd.f32 v29, v19;
	v18 =	vadd.f32 v28, v24  }
0x16a: {  	v16 =	vadd.f32 v17, v16  }
0x16b: {  	v17 =	vadd.f32 v30, v19;
	[tilespmem:$0x10550] =	vst v18  }
0x16c: {  	[tilespmem:$0x106D0] =	vst v16  }
0x16d: {  	[tilespmem:$0x10850] =	vst v17  }
0x16e: {  	v16 =	vld [tilespmem:s1+$0x7C0]  }
0x16f: {  	v17 =	vld [tilespmem:s1+$0x7D0]  }
0x170: {  	v18 =	vld [tilespmem:s1+$0x7E0]  }
0x171: {  	v31 =	vld [tilespmem:s1+$0x87C0]  }
0x172: {  	v32 =	vld [tilespmem:s1+$0x87D0]  }
0x173: {  	v33 =	vld [tilespmem:s1+$0x87E0];
	_ =	sdelay $0x1  }
0x174: {  	v34 =	vld [tilespmem:s1+$0x7F0]  }
0x175: {  	v35 =	vld [tilespmem:s1+$0x87F0]  }
0x176: {  	v36 =	vmul.f32 v31, v16  }
0x177: {  	v37 =	vmul.f32 v32, v17;
	v38 =	vmul.f32 v33, v18  }
0x178: {  	v16 =	vmul.f32 v16, v16;
	v17 =	vmul.f32 v17, v17  }
0x179: {  	v19 =	vmul.f32 v31, v31;
	v20 =	vmul.f32 v32, v32;
	v24 =	vadd.f32 v37, v36  }
0x17a: {  	v39 =	vmul.f32 v35, v34;
	v16 =	vadd.f32 v17, v16;
	v17 =	vmul.f32 v18, v18  }
0x17b: {  	v40 =	vmul.f32 v33, v33;
	v19 =	vadd.f32 v20, v19;
	v24 =	vadd.f32 v38, v24  }
0x17c: {  	v16 =	vadd.f32 v17, v16;
	v17 =	vmul.f32 v34, v34  }
0x17d: {  	v41 =	vmul.f32 v35, v35;
	v19 =	vadd.f32 v40, v19;
	v18 =	vadd.f32 v39, v24  }
0x17e: {  	v16 =	vadd.f32 v17, v16  }
0x17f: {  	v17 =	vadd.f32 v41, v19;
	[tilespmem:$0x10568] =	vst v18  }
0x180: {  	[tilespmem:$0x106E8] =	vst v16  }
0x181: {  	[tilespmem:$0x10868] =	vst v17  }
0x182: {  	v16 =	vld.idx.msk [tilespmem:v0+s25+$0x0], $0xffff  }
0x183: {  	v17 =	vld.idx.msk [tilespmem:v0+s26+$0x0], $0xffff  }
0x184: {  	v18 =	vld.idx.msk [tilespmem:v0+s28+$0x0], $0xffff  }
0x185: {  	v42 =	vld.idx.msk [tilespmem:v1+s25+$0x0], $0xffff  }
0x186: {  	v43 =	vld.idx.msk [tilespmem:v1+s26+$0x0], $0xffff  }
0x187: {  	v44 =	vld.idx.msk [tilespmem:v1+s28+$0x0], $0xffff  }
0x188: {  	v45 =	vld.idx.msk [tilespmem:v2+s25+$0x0], $0xffff  }
0x189: {  	v46 =	vld.idx.msk [tilespmem:v2+s26+$0x0], $0xffff  }
0x18a: {  	v47 =	vld.idx.msk [tilespmem:v2+s28+$0x0], $0xffff  }
0x18b: {  	v48 =	vld.idx.msk [tilespmem:v3+s26+$0x0], $0xffff  }
0x18c: {  	v49 =	vld.idx.msk [tilespmem:v3+s28+$0x0], $0xffff;
	v17 =	vadd.f32 v43, v17  }
0x18d: {  	v50 =	vld.idx.msk [tilespmem:v4+s26+$0x0], $0xffff  }
0x18e: {  	v51 =	vld.idx.msk [tilespmem:v4+s28+$0x0], $0xffff;
	v18 =	vadd.f32 v44, v18;
	v17 =	vadd.f32 v46, v17  }
0x18f: {  	v52 =	vld.idx.msk [tilespmem:v5+s26+$0x0], $0xffff  }
0x190: {  	v53 =	vld.idx.msk [tilespmem:v5+s28+$0x0], $0xffff;
	v18 =	vadd.f32 v47, v18;
	v17 =	vadd.f32 v48, v17  }
0x191: {  	v54 =	vld.idx.msk [tilespmem:v6+s26+$0x0], $0xffff  }
0x192: {  	v55 =	vld.idx.msk [tilespmem:v6+s28+$0x0], $0xffff;
	v18 =	vadd.f32 v49, v18;
	v17 =	vadd.f32 v50, v17  }
0x193: {  	v56 =	vld.idx.msk [tilespmem:v7+s26+$0x0], $0xffff  }
0x194: {  	v57 =	vld.idx.msk [tilespmem:v7+s28+$0x0], $0xffff;
	v18 =	vadd.f32 v51, v18;
	v17 =	vadd.f32 v52, v17  }
0x195: {  	v58 =	vld.idx.msk [tilespmem:v8+s26+$0x0], $0xffff  }
0x196: {  	v59 =	vld.idx.msk [tilespmem:v8+s28+$0x0], $0xffff;
	v18 =	vadd.f32 v53, v18;
	v17 =	vadd.f32 v54, v17  }
0x197: {  	v60 =	vld.idx.msk [tilespmem:v9+s26+$0x0], $0xffff  }
0x198: {  	v61 =	vld.idx.msk [tilespmem:v9+s28+$0x0], $0xffff;
	v18 =	vadd.f32 v55, v18;
	v17 =	vadd.f32 v56, v17  }
0x199: {  	v62 =	vld.idx.msk [tilespmem:v10+s26+$0x0], $0xffff  }
0x19a: {  	v63 =	vld.idx.msk [tilespmem:v10+s28+$0x0], $0xffff;
	v18 =	vadd.f32 v57, v18;
	v17 =	vadd.f32 v58, v17  }
0x19b: {  	v28 =	vld.idx.msk [tilespmem:v11+s26+$0x0], $0xffff  }
0x19c: {  	v29 =	vld.idx.msk [tilespmem:v11+s28+$0x0], $0xffff;
	v18 =	vadd.f32 v59, v18;
	v17 =	vadd.f32 v60, v17  }
0x19d: {  	v30 =	vld.idx.msk [tilespmem:v12+s26+$0x0], $0xffff  }
0x19e: {  	v31 =	vld.idx.msk [tilespmem:v12+s28+$0x0], $0xffff;
	v18 =	vadd.f32 v61, v18;
	v17 =	vadd.f32 v62, v17  }
0x19f: {  	v32 =	vld.idx.msk [tilespmem:v13+s26+$0x0], $0xffff  }
0x1a0: {  	v33 =	vld.idx.msk [tilespmem:v13+s28+$0x0], $0xffff;
	v18 =	vadd.f32 v63, v18;
	v17 =	vadd.f32 v28, v17  }
0x1a1: {  	v34 =	vld.idx.msk [tilespmem:v14+s26+$0x0], $0xffff  }
0x1a2: {  	v35 =	vld.idx.msk [tilespmem:v14+s28+$0x0], $0xffff;
	v18 =	vadd.f32 v29, v18;
	v17 =	vadd.f32 v30, v17  }
0x1a3: {  	v36 =	vld.idx.msk [tilespmem:v15+s26+$0x0], $0xffff  }
0x1a4: {  	v37 =	vld.idx.msk [tilespmem:v3+s25+$0x0], $0xffff;
	v18 =	vadd.f32 v31, v18;
	v17 =	vadd.f32 v32, v17  }
0x1a5: {  	v38 =	vld.idx.msk [tilespmem:v15+s28+$0x0], $0xffff;
	v16 =	vadd.f32 v42, v16  }
0x1a6: {  	v18 =	vadd.f32 v33, v18;
	v17 =	vadd.f32 v34, v17  }
0x1a7: {  	v39 =	vld.idx.msk [tilespmem:v4+s25+$0x0], $0xffff;
	v16 =	vadd.f32 v45, v16  }
0x1a8: {  	v18 =	vadd.f32 v35, v18;
	v17 =	vadd.f32 v36, v17;
	_ =	sdelay $0x1  }
0x1a9: {  	v40 =	vld.idx.msk [tilespmem:v5+s25+$0x0], $0xffff;
	v16 =	vadd.f32 v37, v16;
	v18 =	vadd.f32 v38, v18;
	v17 =	vmax.f32 v17, $1.000000020e-16  }
0x1aa: {  	v41 =	vshra.s32 v17, $0x1;
	v17 =	vmul.f32 $5.000000000e-01, v17  }
0x1ab: {  	v42 =	vld.idx.msk [tilespmem:v6+s25+$0x0], $0xffff;
	v16 =	vadd.f32 v39, v16;
	v18 =	vmax.f32 v18, $1.000000020e-16;
	v19 =	vsub.s32 $0x5F3759DF, v41  }
0x1ac: {  	v44 =	vshra.s32 v18, $0x1;
	v18 =	vmul.f32 $5.000000000e-01, v18;
	v43 =	vmul.f32 v19, v17  }
0x1ad: {  	v45 =	vld.idx.msk [tilespmem:v7+s25+$0x0], $0xffff;
	v23 =	vsub.s32 $0x5F3759DF, v44  }
0x1ae: {  	v16 =	vadd.f32 v40, v16;
	v47 =	vmul.f32 v23, v18;
	v46 =	vmul.f32 v19, v43  }
0x1af: {  	v48 =	vld.idx.msk [tilespmem:v8+s25+$0x0], $0xffff  }
0x1b0: {  	v16 =	vadd.f32 v42, v16;
	v49 =	vmul.f32 v23, v47;
	v20 =	vsub.f32 $1.500000000e+00, v46  }
0x1b1: {  	v50 =	vld.idx.msk [tilespmem:v9+s25+$0x0], $0xffff  }
0x1b2: {  	v16 =	vadd.f32 v45, v16;
	v51 =	vsub.f32 $1.500000000e+00, v49;
	v19 =	vmul.f32 v19, v20  }
0x1b3: {  	v52 =	vld.idx.msk [tilespmem:v10+s25+$0x0], $0xffff  }
0x1b4: {  	v16 =	vadd.f32 v48, v16;
	v20 =	vmul.f32 v23, v51;
	v53 =	vmul.f32 v19, v17  }
0x1b5: {  	v54 =	vld.idx.msk [tilespmem:v11+s25+$0x0], $0xffff  }
0x1b6: {  	v16 =	vadd.f32 v50, v16;
	v56 =	vmul.f32 v20, v18;
	v55 =	vmul.f32 v53, v19  }
0x1b7: {  	v57 =	vld.idx.msk [tilespmem:v12+s25+$0x0], $0xffff  }
0x1b8: {  	v16 =	vadd.f32 v52, v16;
	v59 =	vmul.f32 v56, v20;
	v58 =	vsub.f32 $1.500000000e+00, v55  }
0x1b9: {  	v60 =	vld.idx.msk [tilespmem:v13+s25+$0x0], $0xffff  }
0x1ba: {  	v16 =	vadd.f32 v54, v16;
	v61 =	vsub.f32 $1.500000000e+00, v59;
	v19 =	vmul.f32 v58, v19  }
0x1bb: {  	v62 =	vld.idx.msk [tilespmem:v14+s25+$0x0], $0xffff  }
0x1bc: {  	v16 =	vadd.f32 v57, v16;
	v20 =	vmul.f32 v61, v20;
	v17 =	vmul.f32 v19, v17  }
0x1bd: {  	v63 =	vld.idx.msk [tilespmem:v15+s25+$0x0], $0xffff  }
0x1be: {  	v16 =	vadd.f32 v60, v16;
	v18 =	vmul.f32 v20, v18;
	v17 =	vmul.f32 v17, v19;
	_ =	sdelay $0x1  }
0x1bf: {  	v16 =	vadd.f32 v62, v16;
	v18 =	vmul.f32 v18, v20;
	v17 =	vsub.f32 $1.500000000e+00, v17;
	_ =	sdelay $0x1  }
0x1c0: {  	v16 =	vadd.f32 v63, v16;
	v18 =	vsub.f32 $1.500000000e+00, v18;
	v17 =	vmul.f32 v17, v19  }
0x1c1: {  	p0 =	sne.s32 s0, $0x1F000  }
.Ltmp0:
0x1c2: {  	v16 =	vmul.f32 v17, v16;
	v17 =	vmul.f32 v18, v20;
	(pc) =	sbr.rel @p0 .LBB2_2-.Ltmp0, $3  }
0x1c3: {  	_ = 	snop  }
0x1c4: {  	v16 =	vmul.f32 v17, v16;
	_ =	sdelay $0x1  }
0x1c5: {  	s0 =	sadd.s32 $0x1000, s0;
	[tilespmem:s31+$0x0] =	vst v16;
	s31 =	sadd.s32 $0x10, s31  }
0x1c6: {  	s30 =	sadd.s32 $0x1, s30  }
0x1c7: {  	p0 =	sne.s32 s30, s7  }
.Ltmp1:
0x1c8: {  	_ = 	snop;
	(pc) =	sbr.rel @p0 .LBB2_1-.Ltmp1, $4  }
0x1c9: {  	[hbm4b:s6+s2] =	stream.linear.scatter [tilespmem:s29], [sflag:$0x2], $0x200, $0x38;
	[tilespmem:$0x10A80] =	vst v63  }
0x1ca: {  	_ =	swait.ge [sflag:s8], $0x200  }
0x1cb: {  	[sflag:s8] =	ssyncset.done $0x0  }
0x1cc: {  	[sflag:s8] =	ssyncadd.s32 $0xFFFFFE00  }
0x1cd: {  	_ =	sfence.sel $0x180000  }
0x1ce: {  	[bflag:$0x0] =	sbarrier.arrive $0xFFFF  }
0x1cf: {  	_ =	strace $0x90000047  }
0x1d0: {  	s0 =	stileid.u32;
	[bflag:$0x2] =	sbarrier.arrive $0xFFFF  }
0x1d1: {  	p0 =	sne.s32 s0, $0x0;
	s0 =	rddreg [dreg:$0x4]  }
0x1d2: {  	s0 =	sadd.s32 @!p0 $0x100000, s0  }
0x1d3: {  	[sflag:s0] =	ssyncadd.tile.s32 @!p0 $0x1;
	_ =	shalt  }
.Lfunc_end2:
_tile_overlayer_lowered:
.L_overlay_start_2:
0x1d4: {  	(tag) =	ssettag $0x2  }
0x1d5: {  	s0 =	rddreg [dreg:$0x0];
	s2 =	stileid.u32  }
0x1d6: {  	s1 =	rddreg [dreg:$0x1];
	p0 =	sne.s32 s2, $0x0  }
0x1d7: {  	s3 =	rddreg [dreg:$0x2];
	[bflag:$0x3] =	sbarrier.arrive $0xFFFF;
	s2 =	simm.s32 @!p0 $0x1C02  }
0x1d8: {  	[timem:s3], [sflag:s2] =	dma.local @!p0 [hbm:s0], s1  }
0x1d9: {  	s0 =	simm.s32 @!p0 $0x2  }
0x1da: {  	_ =	swait.ge @!p0 [sflag:s0], s1  }
0x1db: {  	s1 =	ssub.s32 @!p0 $0x0, s1;
	[sflag:s0] =	ssyncset.done @!p0 $0x0  }
0x1dc: {  	[sflag:s0] =	ssyncadd.s32 @!p0 s1  }
0x1dd: {  	[bflag:$0x3] =	sbarrier.arrive $0xFFFF  }
0x1de: {  	_ =	shalt  }

</sc_bundles>
